<compile_context>
chip_gen: v7x
topology: tpu7x:2x2x1
jax: 0.10.2.dev20260603
libtpu: 0.0.44.dev20260713+nightly
codegen_flags: <defaults>
</compile_context>

<pallas_src>
import functools

import jax
import jax.numpy as jnp
from jax import lax
from jax.experimental import pallas as pl
from jax.experimental.pallas import tpu as pltpu
from jax.experimental.pallas import tpu_sc as plsc

N = 4096
K = 20
NC = 4
CLA = 10


_BR = 128
_CW = 512
_NCHK = N // _CW



def _knn_body(pos_ref, posT3_ref, batch_ref, batchT_ref, batchT3_ref,
              idx_ref):
    b = batch_ref[...]
    bt = batchT_ref[...]
    bmin = jnp.min(b)
    bmax = jnp.max(b)
    col1 = lax.broadcasted_iota(jnp.int32, (1, N), 1)
    colstart = jnp.min(jnp.where(bt >= bmin, col1, N))
    colend = jnp.max(jnp.where(bt <= bmax, col1, -1)) + 1

    inf = jnp.float32(jnp.inf)

    def fast(nc):
        cs = jnp.minimum(colstart // _CW, _NCHK - nc)
        base = cs * _CW
        parts = []
        for i in range(nc):
            pj = posT3_ref[cs + i]
            d = jnp.zeros((_BR, _CW), jnp.float32)
            for cc in range(3):
                diff = pos_ref[:, cc : cc + 1] - pj[cc : cc + 1, :]
                d = d + diff * diff
            parts.append(jnp.where(b != batchT3_ref[cs + i], inf, d))
        d = jnp.concatenate(parts, axis=1)
        w = nc * _CW
        col = lax.broadcasted_iota(jnp.int32, (_BR, w), 1)
        outs = []
        for _ in range(K):
            m = jnp.min(d, axis=1, keepdims=True)
            sel = jnp.where(d == m, col, w)
            j = jnp.min(sel, axis=1, keepdims=True)
            outs.append(j + base)
            d = jnp.where(col == j, inf, d)
        idx_ref[...] = jnp.concatenate(outs, axis=1)

    cs3 = jnp.minimum(colstart // _CW, _NCHK - 3)
    fit3 = colend <= cs3 * _CW + 3 * _CW
    cs5 = jnp.minimum(colstart // _CW, _NCHK - 5)
    fit5 = colend <= cs5 * _CW + 5 * _CW

    @pl.when(fit3)
    def _():
        fast(3)

    @pl.when(jnp.logical_and(jnp.logical_not(fit3), fit5))
    def _():
        fast(5)

    @pl.when(jnp.logical_not(fit5))
    def _():
        fast(_NCHK)


def _knn(pos, batch):
    posT3 = pos.T.reshape(3, _NCHK, _CW).transpose(1, 0, 2)
    batch2d = batch.reshape(N, 1)
    batchT = batch.reshape(1, N)
    batchT3 = batch.reshape(_NCHK, 1, _CW)
    return pl.pallas_call(
        _knn_body,
        grid=(N // _BR,),
        in_specs=[
            pl.BlockSpec((_BR, 3), lambda i: (i, 0)),
            pl.BlockSpec((_NCHK, 3, _CW), lambda i: (0, 0, 0)),
            pl.BlockSpec((_BR, 1), lambda i: (i, 0)),
            pl.BlockSpec((1, N), lambda i: (0, 0)),
            pl.BlockSpec((_NCHK, 1, _CW), lambda i: (0, 0, 0)),
        ],
        out_specs=pl.BlockSpec((_BR, K), lambda i: (i, 0)),
        out_shape=jax.ShapeDtypeStruct((N, K), jnp.int32),
    )(pos, posT3, batch2d, batchT, batchT3)



_NW = 32
_B = K * N
_BPW = _B // _NW
_CH = 128
_NCH = _BPW // _CH


_D = 128


@jax.jit
def _gather_rows(table, idx3d):
    mesh = plsc.VectorSubcoreMesh(core_axis_name="c", subcore_axis_name="s")

    @functools.partial(
        pl.kernel,
        mesh=mesh,
        out_type=jax.ShapeDtypeStruct((_B, _D), jnp.float32),
        scratch_types=[
            pltpu.VMEM((_NCH, _CH), jnp.int32),
            pltpu.VMEM((4, _CH, _D), jnp.float32),
            [pltpu.SemaphoreType.DMA] * 4,
            [pltpu.SemaphoreType.DMA] * 4,
        ],
    )
    def gk(table_hbm, idx_hbm, out_hbm, idx_v, rows_v, gsems, ssems):
        wid = lax.axis_index("s") * 2 + lax.axis_index("c")
        base = wid * _BPW
        pltpu.sync_copy(idx_hbm.at[wid], idx_v)
        nbuf = 4
        gcp = [None] * nbuf
        scp = [None] * nbuf
        for j in range(nbuf):
            gcp[j] = pltpu.async_copy(
                table_hbm.at[idx_v.at[j]], rows_v.at[j], gsems[j])
        for j in range(_NCH):
            bb = j % nbuf
            gcp[bb].wait()
            scp[bb] = pltpu.async_copy(
                rows_v.at[bb], out_hbm.at[pl.ds(base + j * _CH, _CH)],
                ssems[bb])
            nj = j + nbuf
            if nj < _NCH:
                scp[bb].wait()
                gcp[bb] = pltpu.async_copy(
                    table_hbm.at[idx_v.at[nj]], rows_v.at[bb], gsems[bb])
        for j in range(_NCH - nbuf, _NCH):
            scp[j % nbuf].wait()

    return gk(table, idx3d)



_BT = 1024


def _edge_body(*refs, nlayer, d_real, pad_out):
    if nlayer == 3:
        (f_ref, g_ref, w1_ref, b1_ref, w2_ref, b2_ref, w3_ref,
         b3_ref, out_ref) = refs
    else:
        (f_ref, g_ref, w1_ref, b1_ref, w2_ref, b2_ref,
         out_ref) = refs
    f = f_ref[:, :d_real]
    w1 = w1_ref[...]
    acc = None
    for k in range(K):
        xj = g_ref[k][:, :d_real]
        e = jnp.concatenate([f, xj - f], axis=1)
        h = jnp.dot(e, w1, preferred_element_type=jnp.float32) + b1_ref[...]
        h = jnp.maximum(h, 0.0)
        h = jnp.dot(h, w2_ref[...], preferred_element_type=jnp.float32) + b2_ref[...]
        h = jnp.maximum(h, 0.0)
        if nlayer == 3:
            h = jnp.dot(h, w3_ref[...], preferred_element_type=jnp.float32) + b3_ref[...]
            h = jnp.maximum(h, 0.0)
        acc = h if acc is None else jnp.maximum(acc, h)
    if pad_out:
        acc = jnp.concatenate(
            [acc, jnp.zeros((acc.shape[0], _D - acc.shape[1]), jnp.float32)],
            axis=1)
    out_ref[...] = acc


def _edge_conv(f, g, w1, layers, d_real, pad_out):
    b1 = layers[0][1].reshape(1, -1)
    w2, b2 = layers[1]
    b2 = b2.reshape(1, -1)
    extra = []
    if len(layers) == 3:
        w3, b3 = layers[2]
        b3 = b3.reshape(1, -1)
        extra = [w3, b3]
    h_out = _D if pad_out else layers[-1][0].shape[1]
    full = lambda t: (0, 0)
    in_specs = [
        pl.BlockSpec((_BT, _D), lambda t: (t, 0)),
        pl.BlockSpec((K, _BT, _D), lambda t: (0, t, 0)),
        pl.BlockSpec(w1.shape, full),
        pl.BlockSpec(b1.shape, full),
        pl.BlockSpec(w2.shape, full),
        pl.BlockSpec(b2.shape, full),
    ]
    if extra:
        in_specs += [pl.BlockSpec(extra[0].shape, full),
                     pl.BlockSpec(extra[1].shape, full)]
    return pl.pallas_call(
        functools.partial(_edge_body, nlayer=len(layers), d_real=d_real,
                          pad_out=pad_out),
        grid=(N // _BT,),
        in_specs=in_specs,
        out_specs=pl.BlockSpec((_BT, h_out), lambda t: (t, 0)),
        out_shape=jax.ShapeDtypeStruct((N, h_out), jnp.float32),
    )(f, g, w1, b1, w2, b2, *extra)




def _final_body(comb_ref, batchT_ref, wl1_ref, bl1_ref, wl2_ref, bl2_ref,
                wm_refs, out_ref):
    h = jnp.dot(comb_ref[...], wl1_ref[...], preferred_element_type=jnp.float32)
    h = jnp.maximum(h + bl1_ref[...], 0.0)
    h = jnp.dot(h, wl2_ref[...], preferred_element_type=jnp.float32) + bl2_ref[...]
    cls = lax.broadcasted_iota(jnp.int32, (NC, N), 0)
    oneh = (batchT_ref[...] == cls).astype(jnp.float32)
    pool = jnp.dot(oneh, h, preferred_element_type=jnp.float32,
                   precision=lax.Precision.HIGHEST)
    cnt = jnp.sum(oneh, axis=1, keepdims=True)
    m = pool / jnp.maximum(cnt, 1.0)
    nm = len(wm_refs) // 2
    for i in range(nm):
        m = jnp.dot(m, wm_refs[2 * i][...], preferred_element_type=jnp.float32)
        m = m + wm_refs[2 * i + 1][...]
        if i < nm - 1:
            m = jnp.maximum(m, 0.0)
    out_ref[...] = m


def _final(comb, batch, lin1, mlp):
    batchT = batch.reshape(1, N)
    wl1, bl1 = lin1[0]
    wl2, bl2 = lin1[1]
    args = [comb, batchT, wl1, bl1.reshape(1, -1), wl2, bl2.reshape(1, -1)]
    for w, b in mlp:
        args += [w, b.reshape(1, -1)]

    def body(*refs):
        _final_body(refs[0], refs[1], refs[2], refs[3], refs[4], refs[5],
                    refs[6:-1], refs[-1])

    return pl.pallas_call(
        body,
        out_shape=jax.ShapeDtypeStruct((NC, CLA), jnp.float32),
    )(*args)




def kernel(x, pos, tq, params, batch):
    del tq
    idx = _knn(pos, batch)
    idx3d = idx.T.reshape(_NW, _NCH, _CH)

    xx = jnp.concatenate(
        [x, pos, jnp.zeros((N, _D - 11), jnp.float32)], axis=1)
    g1 = _gather_rows(xx, idx3d).reshape(K, N, _D)
    x1 = _edge_conv(xx, g1, params['conv1'][0][0], params['conv1'], 11, True)

    g2 = _gather_rows(x1, idx3d).reshape(K, N, _D)
    x2 = _edge_conv(x1, g2, params['conv2'][0][0], params['conv2'], 64, True)

    g3 = _gather_rows(x2, idx3d).reshape(K, N, _D)
    x3 = _edge_conv(x2, g3, params['conv2'][0][0], params['conv2'], 64, True)

    g4 = _gather_rows(x3, idx3d).reshape(K, N, _D)
    x4 = _edge_conv(x3, g4, params['conv3'][0][0], params['conv3'], 64, False)

    comb = jnp.concatenate(
        [x1[:, :64], x2[:, :64], x3[:, :64], x4], axis=1)
    return _final(comb, batch, params['lin1'], params['mlp'])

# --- scband reference (transcript-rebuilt; emitter-appended) ---
"""Pipeline reference for scband-edcn-type-wf2-50397146251477 (READ-ONLY COPY).

The authoritative reference and input builder live on the scoring server;
editing this copy changes nothing except your own understanding.
"""

import jax, jax.numpy as jnp
import numpy as np

N = 4096
FEA = 8
K = 20
NC = 4
CLA = 10


def _init_linear(key, din, dout):
    kw, kb = jax.random.split(key)
    w = jax.random.normal(kw, (din, dout), jnp.float32) / np.sqrt(din)
    b = jnp.zeros((dout,), jnp.float32)
    return (w, b)


def setup_inputs(seed: int = 0):
    key = jax.random.key(seed)
    ks = jax.random.split(key, 20)
    x = jax.random.normal(ks[0], (N, FEA), jnp.float32)
    pos = jax.random.normal(ks[1], (N, 3), jnp.float32)
    tq = jax.random.normal(ks[2], (N,), jnp.float32)
    batch = jnp.sort(jax.random.randint(ks[3], (N,), 0, NC)).astype(jnp.int32)
    params = {
        'conv1': [_init_linear(ks[4], 2 * (FEA + 3), 256), _init_linear(ks[5], 256, 128), _init_linear(ks[6], 128, 64)],
        'conv2': [_init_linear(ks[7], 128, 128), _init_linear(ks[8], 128, 64)],
        'conv3': [_init_linear(ks[9], 128, 128), _init_linear(ks[10], 128, 256)],
        'lin1': [_init_linear(ks[11], 64 * 3 + 256, 1024), _init_linear(ks[12], 1024, 512)],
        'mlp': [_init_linear(ks[13], 512, 256), _init_linear(ks[14], 256, 128), _init_linear(ks[15], 128, 64), _init_linear(ks[16], 64, CLA)],
    }
    return {'x': x, 'pos': pos, 'tq': tq, 'params': params, 'batch': batch}


def _mlp(h, layers, relu_last):
    n = len(layers)
    for i, (w, b) in enumerate(layers):
        h = h @ w + b
        if relu_last or i < n - 1:
            h = jax.nn.relu(h)
    return h


def _knn_graph(pos, batch, k):
    # pairwise sq distances, masked across different clouds; loop=True (self included)
    d = jnp.sum((pos[:, None, :] - pos[None, :, :]) ** 2, axis=-1)
    mask = batch[:, None] != batch[None, :]
    d = jnp.where(mask, jnp.inf, d)
    _, idx = jax.lax.top_k(-d, k)  # [N, K] neighbor (source) indices per target node
    return idx


def _edge_conv(x, idx, layers):
    xi = x[:, None, :]
    xj = x[idx]  # [N, K, d] gather of source features
    h = jnp.concatenate([jnp.broadcast_to(xi, xj.shape), xj - xi], axis=-1)
    h = _mlp(h, layers, relu_last=True)
    return jnp.max(h, axis=1)  # aggr='max'


def reference(x, pos, tq, params, batch):
    idx = _knn_graph(pos, batch, K)
    xx = jnp.concatenate([x, pos], axis=1)
    x1 = _edge_conv(xx, idx, params['conv1'])
    x2 = _edge_conv(x1, idx, params['conv2'])
    x3 = _edge_conv(x2, idx, params['conv2'])  # conv2 reused, weight sharing as in original
    x4 = _edge_conv(x3, idx, params['conv3'])
    comb = jnp.concatenate([x1, x2, x3, x4], axis=1)
    h = _mlp(comb, params['lin1'], relu_last=False)
    # global_mean_pool (pool == 1)
    sums = jax.ops.segment_sum(h, batch, num_segments=NC)
    cnt = jax.ops.segment_sum(jnp.ones((N,), h.dtype), batch, num_segments=NC)
    out = sums / jnp.clip(cnt, 1.0)[:, None]
    out = _mlp(out, params['mlp'], relu_last=False)
    return out

if __name__ == "__main__":
    import jax
    _d = setup_inputs()
    print(jax.jit(kernel)(*tuple(_d.values())))

</pallas_src>

<mosaic_0001>
#map = affine_map<(d0, d1) -> (0, 0)>
#map1 = affine_map<(d0, d1) -> (0, 0, 0)>
module attributes {stable_mosaic.version = 14 : i64} {
  func.func @gk(%arg0: i32, %arg1: i32, %arg2: memref<4096x128xf32, #tpu.memory_space<hbm>>, %arg3: memref<32x20x128xi32, #tpu.memory_space<hbm>>, %arg4: memref<81920x128xf32, #tpu.memory_space<hbm>>, %arg5: memref<20x128xi32, #tpu.memory_space<vmem>>, %arg6: memref<4x128x128xf32, #tpu.memory_space<vmem>>, %arg7: memref<!tpu.dma_semaphore, #tpu.memory_space<semaphore_mem>>, %arg8: memref<!tpu.dma_semaphore, #tpu.memory_space<semaphore_mem>>, %arg9: memref<!tpu.dma_semaphore, #tpu.memory_space<semaphore_mem>>, %arg10: memref<!tpu.dma_semaphore, #tpu.memory_space<semaphore_mem>>, %arg11: memref<!tpu.dma_semaphore, #tpu.memory_space<semaphore_mem>>, %arg12: memref<!tpu.dma_semaphore, #tpu.memory_space<semaphore_mem>>, %arg13: memref<!tpu.dma_semaphore, #tpu.memory_space<semaphore_mem>>, %arg14: memref<!tpu.dma_semaphore, #tpu.memory_space<semaphore_mem>>) attributes {dimension_semantics = [#tpu.dimension_semantics<core_parallel>, #tpu.dimension_semantics<subcore_parallel>], iteration_bounds = array<i64: 2, 16>, scalar_prefetch = 0 : i64, scratch_operands = 10 : i64, tpu.core_type = #tpu.core_type<sc_vector_subcore>, window_params = [{transform_indices = #map}, {transform_indices = #map1}, {transform_indices = #map}]} {
    %mul3A = arith.constant 2 : i32
    %mul3A_0 = arith.muli %arg1, %mul3A : i32
    %add3A = arith.addi %mul3A_0, %arg0 : i32
    %mul3A_1 = arith.constant 2560 : i32
    %mul3A_2 = arith.muli %add3A, %mul3A_1 : i32
    "tpu.region"() ({
      %run_scoped3A = tpu.sem_alloc : memref<!tpu.dma_semaphore, #tpu.memory_space<semaphore_mem>>
      %dma_start3A_1041 = arith.constant 0 : i32
      %dma_start3A_1042 = arith.constant 0 : i32
      %dma_start3A_1043 = tpu.memref_slice %arg3[%add3A, %dma_start3A_1041, %dma_start3A_1042] : memref<32x20x128xi32, #tpu.memory_space<hbm>> -> memref<1x20x128xi32, #tpu.memory_space<hbm>>
      %dma_start3A_1044 = tpu.memref_squeeze %dma_start3A_1043 : memref<1x20x128xi32, #tpu.memory_space<hbm>> -> memref<20x128xi32, #tpu.memory_space<hbm>>
      %dma_start3A_1045 = arith.constant 0 : i32
      %dma_start3A_1046 = arith.constant 0 : i32
      %dma_start3A_1047 = tpu.memref_slice %arg3[%add3A, %dma_start3A_1045, %dma_start3A_1046] : memref<32x20x128xi32, #tpu.memory_space<hbm>> -> memref<1x20x128xi32, #tpu.memory_space<hbm>>
      %dma_start3A_1048 = tpu.memref_squeeze %dma_start3A_1047 : memref<1x20x128xi32, #tpu.memory_space<hbm>> -> memref<20x128xi32, #tpu.memory_space<hbm>>
      tpu.enqueue_dma source(%dma_start3A_1048 : memref<20x128xi32, #tpu.memory_space<hbm>>) target(%arg5 : memref<20x128xi32, #tpu.memory_space<vmem>>) target_semaphore(%run_scoped3A : memref<!tpu.dma_semaphore, #tpu.memory_space<semaphore_mem>>)
      %dma_wait3A_1049 = arith.constant 0 : i32
      %dma_wait3A_1050 = arith.constant 0 : i32
      %dma_wait3A_1051 = tpu.memref_slice %arg3[%add3A, %dma_wait3A_1049, %dma_wait3A_1050] : memref<32x20x128xi32, #tpu.memory_space<hbm>> -> memref<1x20x128xi32, #tpu.memory_space<hbm>>
      %dma_wait3A_1052 = tpu.memref_squeeze %dma_wait3A_1051 : memref<1x20x128xi32, #tpu.memory_space<hbm>> -> memref<20x128xi32, #tpu.memory_space<hbm>>
      %dma_wait3A_1053 = arith.constant 0 : i32
      %dma_wait3A_1054 = arith.constant 0 : i32
      %dma_wait3A_1055 = tpu.memref_slice %arg3[%add3A, %dma_wait3A_1053, %dma_wait3A_1054] : memref<32x20x128xi32, #tpu.memory_space<hbm>> -> memref<1x20x128xi32, #tpu.memory_space<hbm>>
      %dma_wait3A_1056 = tpu.memref_squeeze %dma_wait3A_1055 : memref<1x20x128xi32, #tpu.memory_space<hbm>> -> memref<20x128xi32, #tpu.memory_space<hbm>>
      tpu.wait_dma2 semaphore(%run_scoped3A : memref<!tpu.dma_semaphore, #tpu.memory_space<semaphore_mem>>) src(%dma_wait3A_1056 : memref<20x128xi32, #tpu.memory_space<hbm>>) dst(%arg5 : memref<20x128xi32, #tpu.memory_space<vmem>>)
      tpu.yield
    }) : () -> ()
    %dma_start3A = arith.constant 0 : i32
    %dma_start3A_3 = arith.constant 0 : i32
    %dma_start3A_4 = arith.constant 0 : i32
    %dma_start3A_5 = arith.constant 0 : i32
    %dma_start3A_6 = tpu.memref_slice %arg6[%dma_start3A_3, %dma_start3A_4, %dma_start3A_5] : memref<4x128x128xf32, #tpu.memory_space<vmem>> -> memref<1x128x128xf32, #tpu.memory_space<vmem>>
    %dma_start3A_7 = tpu.memref_squeeze %dma_start3A_6 : memref<1x128x128xf32, #tpu.memory_space<vmem>> -> memref<128x128xf32, #tpu.memory_space<vmem>>
    %dma_start3A_8 = arith.constant 0 : i32
    %dma_start3A_9 = tpu.memref_slice %arg5[%dma_start3A, %dma_start3A_8] : memref<20x128xi32, #tpu.memory_space<vmem>> -> memref<1x128xi32, #tpu.memory_space<vmem>>
    %dma_start3A_10 = tpu.memref_squeeze %dma_start3A_9 : memref<1x128xi32, #tpu.memory_space<vmem>> -> memref<128xi32, #tpu.memory_space<vmem>>
    %dma_start3A_11 = arith.constant 0 : i32
    %dma_start3A_12 = arith.constant 0 : i32
    %dma_start3A_13 = tpu.memref_slice %arg2[%dma_start3A_11, %dma_start3A_12] : memref<4096x128xf32, #tpu.memory_space<hbm>> -> memref<4096x128xf32, #tpu.memory_space<hbm>>
    tpu.enqueue_indirect_dma source(%dma_start3A_13 : memref<4096x128xf32, #tpu.memory_space<hbm>>) target(%dma_start3A_7 : memref<128x128xf32, #tpu.memory_space<vmem>>) offsets(%dma_start3A_10 : memref<128xi32, #tpu.memory_space<vmem>>) semaphore(%arg7 : memref<!tpu.dma_semaphore, #tpu.memory_space<semaphore_mem>>)
    %dma_start3A_14 = arith.constant 1 : i32
    %dma_start3A_15 = arith.constant 1 : i32
    %dma_start3A_16 = arith.constant 0 : i32
    %dma_start3A_17 = arith.constant 0 : i32
    %dma_start3A_18 = tpu.memref_slice %arg6[%dma_start3A_15, %dma_start3A_16, %dma_start3A_17] : memref<4x128x128xf32, #tpu.memory_space<vmem>> -> memref<1x128x128xf32, #tpu.memory_space<vmem>>
    %dma_start3A_19 = tpu.memref_squeeze %dma_start3A_18 : memref<1x128x128xf32, #tpu.memory_space<vmem>> -> memref<128x128xf32, #tpu.memory_space<vmem>>
    %dma_start3A_20 = arith.constant 0 : i32
    %dma_start3A_21 = tpu.memref_slice %arg5[%dma_start3A_14, %dma_start3A_20] : memref<20x128xi32, #tpu.memory_space<vmem>> -> memref<1x128xi32, #tpu.memory_space<vmem>>
    %dma_start3A_22 = tpu.memref_squeeze %dma_start3A_21 : memref<1x128xi32, #tpu.memory_space<vmem>> -> memref<128xi32, #tpu.memory_space<vmem>>
    %dma_start3A_23 = arith.constant 0 : i32
    %dma_start3A_24 = arith.constant 0 : i32
    %dma_start3A_25 = tpu.memref_slice %arg2[%dma_start3A_23, %dma_start3A_24] : memref<4096x128xf32, #tpu.memory_space<hbm>> -> memref<4096x128xf32, #tpu.memory_space<hbm>>
    tpu.enqueue_indirect_dma source(%dma_start3A_25 : memref<4096x128xf32, #tpu.memory_space<hbm>>) target(%dma_start3A_19 : memref<128x128xf32, #tpu.memory_space<vmem>>) offsets(%dma_start3A_22 : memref<128xi32, #tpu.memory_space<vmem>>) semaphore(%arg8 : memref<!tpu.dma_semaphore, #tpu.memory_space<semaphore_mem>>)
    %dma_start3A_26 = arith.constant 2 : i32
    %dma_start3A_27 = arith.constant 2 : i32
    %dma_start3A_28 = arith.constant 0 : i32
    %dma_start3A_29 = arith.constant 0 : i32
    %dma_start3A_30 = tpu.memref_slice %arg6[%dma_start3A_27, %dma_start3A_28, %dma_start3A_29] : memref<4x128x128xf32, #tpu.memory_space<vmem>> -> memref<1x128x128xf32, #tpu.memory_space<vmem>>
    %dma_start3A_31 = tpu.memref_squeeze %dma_start3A_30 : memref<1x128x128xf32, #tpu.memory_space<vmem>> -> memref<128x128xf32, #tpu.memory_space<vmem>>
    %dma_start3A_32 = arith.constant 0 : i32
    %dma_start3A_33 = tpu.memref_slice %arg5[%dma_start3A_26, %dma_start3A_32] : memref<20x128xi32, #tpu.memory_space<vmem>> -> memref<1x128xi32, #tpu.memory_space<vmem>>
    %dma_start3A_34 = tpu.memref_squeeze %dma_start3A_33 : memref<1x128xi32, #tpu.memory_space<vmem>> -> memref<128xi32, #tpu.memory_space<vmem>>
    %dma_start3A_35 = arith.constant 0 : i32
    %dma_start3A_36 = arith.constant 0 : i32
    %dma_start3A_37 = tpu.memref_slice %arg2[%dma_start3A_35, %dma_start3A_36] : memref<4096x128xf32, #tpu.memory_space<hbm>> -> memref<4096x128xf32, #tpu.memory_space<hbm>>
    tpu.enqueue_indirect_dma source(%dma_start3A_37 : memref<4096x128xf32, #tpu.memory_space<hbm>>) target(%dma_start3A_31 : memref<128x128xf32, #tpu.memory_space<vmem>>) offsets(%dma_start3A_34 : memref<128xi32, #tpu.memory_space<vmem>>) semaphore(%arg9 : memref<!tpu.dma_semaphore, #tpu.memory_space<semaphore_mem>>)
    %dma_start3A_38 = arith.constant 3 : i32
    %dma_start3A_39 = arith.constant 3 : i32
    %dma_start3A_40 = arith.constant 0 : i32
    %dma_start3A_41 = arith.constant 0 : i32
    %dma_start3A_42 = tpu.memref_slice %arg6[%dma_start3A_39, %dma_start3A_40, %dma_start3A_41] : memref<4x128x128xf32, #tpu.memory_space<vmem>> -> memref<1x128x128xf32, #tpu.memory_space<vmem>>
    %dma_start3A_43 = tpu.memref_squeeze %dma_start3A_42 : memref<1x128x128xf32, #tpu.memory_space<vmem>> -> memref<128x128xf32, #tpu.memory_space<vmem>>
    %dma_start3A_44 = arith.constant 0 : i32
    %dma_start3A_45 = tpu.memref_slice %arg5[%dma_start3A_38, %dma_start3A_44] : memref<20x128xi32, #tpu.memory_space<vmem>> -> memref<1x128xi32, #tpu.memory_space<vmem>>
    %dma_start3A_46 = tpu.memref_squeeze %dma_start3A_45 : memref<1x128xi32, #tpu.memory_space<vmem>> -> memref<128xi32, #tpu.memory_space<vmem>>
    %dma_start3A_47 = arith.constant 0 : i32
    %dma_start3A_48 = arith.constant 0 : i32
    %dma_start3A_49 = tpu.memref_slice %arg2[%dma_start3A_47, %dma_start3A_48] : memref<4096x128xf32, #tpu.memory_space<hbm>> -> memref<4096x128xf32, #tpu.memory_space<hbm>>
    tpu.enqueue_indirect_dma source(%dma_start3A_49 : memref<4096x128xf32, #tpu.memory_space<hbm>>) target(%dma_start3A_43 : memref<128x128xf32, #tpu.memory_space<vmem>>) offsets(%dma_start3A_46 : memref<128xi32, #tpu.memory_space<vmem>>) semaphore(%arg10 : memref<!tpu.dma_semaphore, #tpu.memory_space<semaphore_mem>>)
    %dma_wait3A = arith.constant 0 : i32
    %dma_wait3A_50 = arith.constant 0 : i32
    %dma_wait3A_51 = arith.constant 0 : i32
    %dma_wait3A_52 = arith.constant 0 : i32
    %dma_wait3A_53 = tpu.memref_slice %arg6[%dma_wait3A_50, %dma_wait3A_51, %dma_wait3A_52] : memref<4x128x128xf32, #tpu.memory_space<vmem>> -> memref<1x128x128xf32, #tpu.memory_space<vmem>>
    %dma_wait3A_54 = tpu.memref_squeeze %dma_wait3A_53 : memref<1x128x128xf32, #tpu.memory_space<vmem>> -> memref<128x128xf32, #tpu.memory_space<vmem>>
    %dma_wait3A_55 = arith.constant 0 : i32
    %dma_wait3A_56 = tpu.memref_slice %arg5[%dma_wait3A, %dma_wait3A_55] : memref<20x128xi32, #tpu.memory_space<vmem>> -> memref<1x128xi32, #tpu.memory_space<vmem>>
    %dma_wait3A_57 = tpu.memref_squeeze %dma_wait3A_56 : memref<1x128xi32, #tpu.memory_space<vmem>> -> memref<128xi32, #tpu.memory_space<vmem>>
    %dma_wait3A_58 = arith.constant 0 : i32
    %dma_wait3A_59 = arith.constant 0 : i32
    %dma_wait3A_60 = tpu.memref_slice %arg2[%dma_wait3A_58, %dma_wait3A_59] : memref<4096x128xf32, #tpu.memory_space<hbm>> -> memref<4096x128xf32, #tpu.memory_space<hbm>>
    tpu.wait_indirect_dma semaphore(%arg7 : memref<!tpu.dma_semaphore, #tpu.memory_space<semaphore_mem>>) src(%dma_wait3A_60 : memref<4096x128xf32, #tpu.memory_space<hbm>>) dst(%dma_wait3A_54 : memref<128x128xf32, #tpu.memory_space<vmem>>)
    %add3A_61 = arith.constant 0 : i32
    %add3A_62 = arith.addi %mul3A_2, %add3A_61 : i32
    %dma_start3A_63 = arith.constant 0 : i32
    %dma_start3A_64 = arith.constant 0 : i32
    %dma_start3A_65 = arith.constant 0 : i32
    %dma_start3A_66 = tpu.memref_slice %arg6[%dma_start3A_63, %dma_start3A_64, %dma_start3A_65] : memref<4x128x128xf32, #tpu.memory_space<vmem>> -> memref<1x128x128xf32, #tpu.memory_space<vmem>>
    %dma_start3A_67 = tpu.memref_squeeze %dma_start3A_66 : memref<1x128x128xf32, #tpu.memory_space<vmem>> -> memref<128x128xf32, #tpu.memory_space<vmem>>
    %dma_start3A_68 = arith.constant 0 : i32
    %dma_start3A_69 = tpu.memref_slice %arg4[%add3A_62, %dma_start3A_68] : memref<81920x128xf32, #tpu.memory_space<hbm>> -> memref<128x128xf32, #tpu.memory_space<hbm>>
    %dma_start3A_70 = arith.constant 0 : i32
    %dma_start3A_71 = tpu.memref_slice %arg4[%add3A_62, %dma_start3A_70] : memref<81920x128xf32, #tpu.memory_space<hbm>> -> memref<128x128xf32, #tpu.memory_space<hbm>>
    %dma_start3A_72 = arith.constant 0 : i32
    %dma_start3A_73 = arith.constant 0 : i32
    %dma_start3A_74 = tpu.memref_slice %arg6[%dma_start3A_63, %dma_start3A_72, %dma_start3A_73] : memref<4x128x128xf32, #tpu.memory_space<vmem>> -> memref<1x128x128xf32, #tpu.memory_space<vmem>>
    %dma_start3A_75 = tpu.memref_squeeze %dma_start3A_74 : memref<1x128x128xf32, #tpu.memory_space<vmem>> -> memref<128x128xf32, #tpu.memory_space<vmem>>
    tpu.enqueue_dma source(%dma_start3A_75 : memref<128x128xf32, #tpu.memory_space<vmem>>) target(%dma_start3A_71 : memref<128x128xf32, #tpu.memory_space<hbm>>) target_semaphore(%arg11 : memref<!tpu.dma_semaphore, #tpu.memory_space<semaphore_mem>>)
    %dma_wait3A_76 = arith.constant 0 : i32
    %dma_wait3A_77 = arith.constant 0 : i32
    %dma_wait3A_78 = arith.constant 0 : i32
    %dma_wait3A_79 = tpu.memref_slice %arg6[%dma_wait3A_76, %dma_wait3A_77, %dma_wait3A_78] : memref<4x128x128xf32, #tpu.memory_space<vmem>> -> memref<1x128x128xf32, #tpu.memory_space<vmem>>
    %dma_wait3A_80 = tpu.memref_squeeze %dma_wait3A_79 : memref<1x128x128xf32, #tpu.memory_space<vmem>> -> memref<128x128xf32, #tpu.memory_space<vmem>>
    %dma_wait3A_81 = arith.constant 0 : i32
    %dma_wait3A_82 = tpu.memref_slice %arg4[%add3A_62, %dma_wait3A_81] : memref<81920x128xf32, #tpu.memory_space<hbm>> -> memref<128x128xf32, #tpu.memory_space<hbm>>
    %dma_wait3A_83 = arith.constant 0 : i32
    %dma_wait3A_84 = tpu.memref_slice %arg4[%add3A_62, %dma_wait3A_83] : memref<81920x128xf32, #tpu.memory_space<hbm>> -> memref<128x128xf32, #tpu.memory_space<hbm>>
    %dma_wait3A_85 = arith.constant 0 : i32
    %dma_wait3A_86 = arith.constant 0 : i32
    %dma_wait3A_87 = tpu.memref_slice %arg6[%dma_wait3A_76, %dma_wait3A_85, %dma_wait3A_86] : memref<4x128x128xf32, #tpu.memory_space<vmem>> -> memref<1x128x128xf32, #tpu.memory_space<vmem>>
    %dma_wait3A_88 = tpu.memref_squeeze %dma_wait3A_87 : memref<1x128x128xf32, #tpu.memory_space<vmem>> -> memref<128x128xf32, #tpu.memory_space<vmem>>
    tpu.wait_dma2 semaphore(%arg11 : memref<!tpu.dma_semaphore, #tpu.memory_space<semaphore_mem>>) src(%dma_wait3A_88 : memref<128x128xf32, #tpu.memory_space<vmem>>) dst(%dma_wait3A_84 : memref<128x128xf32, #tpu.memory_space<hbm>>)
    %dma_start3A_89 = arith.constant 4 : i32
    %dma_start3A_90 = arith.constant 0 : i32
    %dma_start3A_91 = arith.constant 0 : i32
    %dma_start3A_92 = arith.constant 0 : i32
    %dma_start3A_93 = tpu.memref_slice %arg6[%dma_start3A_90, %dma_start3A_91, %dma_start3A_92] : memref<4x128x128xf32, #tpu.memory_space<vmem>> -> memref<1x128x128xf32, #tpu.memory_space<vmem>>
    %dma_start3A_94 = tpu.memref_squeeze %dma_start3A_93 : memref<1x128x128xf32, #tpu.memory_space<vmem>> -> memref<128x128xf32, #tpu.memory_space<vmem>>
    %dma_start3A_95 = arith.constant 0 : i32
    %dma_start3A_96 = tpu.memref_slice %arg5[%dma_start3A_89, %dma_start3A_95] : memref<20x128xi32, #tpu.memory_space<vmem>> -> memref<1x128xi32, #tpu.memory_space<vmem>>
    %dma_start3A_97 = tpu.memref_squeeze %dma_start3A_96 : memref<1x128xi32, #tpu.memory_space<vmem>> -> memref<128xi32, #tpu.memory_space<vmem>>
    %dma_start3A_98 = arith.constant 0 : i32
    %dma_start3A_99 = arith.constant 0 : i32
    %dma_start3A_100 = tpu.memref_slice %arg2[%dma_start3A_98, %dma_start3A_99] : memref<4096x128xf32, #tpu.memory_space<hbm>> -> memref<4096x128xf32, #tpu.memory_space<hbm>>
    tpu.enqueue_indirect_dma source(%dma_start3A_100 : memref<4096x128xf32, #tpu.memory_space<hbm>>) target(%dma_start3A_94 : memref<128x128xf32, #tpu.memory_space<vmem>>) offsets(%dma_start3A_97 : memref<128xi32, #tpu.memory_space<vmem>>) semaphore(%arg7 : memref<!tpu.dma_semaphore, #tpu.memory_space<semaphore_mem>>)
    %dma_wait3A_101 = arith.constant 1 : i32
    %dma_wait3A_102 = arith.constant 1 : i32
    %dma_wait3A_103 = arith.constant 0 : i32
    %dma_wait3A_104 = arith.constant 0 : i32
    %dma_wait3A_105 = tpu.memref_slice %arg6[%dma_wait3A_102, %dma_wait3A_103, %dma_wait3A_104] : memref<4x128x128xf32, #tpu.memory_space<vmem>> -> memref<1x128x128xf32, #tpu.memory_space<vmem>>
    %dma_wait3A_106 = tpu.memref_squeeze %dma_wait3A_105 : memref<1x128x128xf32, #tpu.memory_space<vmem>> -> memref<128x128xf32, #tpu.memory_space<vmem>>
    %dma_wait3A_107 = arith.constant 0 : i32
    %dma_wait3A_108 = tpu.memref_slice %arg5[%dma_wait3A_101, %dma_wait3A_107] : memref<20x128xi32, #tpu.memory_space<vmem>> -> memref<1x128xi32, #tpu.memory_space<vmem>>
    %dma_wait3A_109 = tpu.memref_squeeze %dma_wait3A_108 : memref<1x128xi32, #tpu.memory_space<vmem>> -> memref<128xi32, #tpu.memory_space<vmem>>
    %dma_wait3A_110 = arith.constant 0 : i32
    %dma_wait3A_111 = arith.constant 0 : i32
    %dma_wait3A_112 = tpu.memref_slice %arg2[%dma_wait3A_110, %dma_wait3A_111] : memref<4096x128xf32, #tpu.memory_space<hbm>> -> memref<4096x128xf32, #tpu.memory_space<hbm>>
    tpu.wait_indirect_dma semaphore(%arg8 : memref<!tpu.dma_semaphore, #tpu.memory_space<semaphore_mem>>) src(%dma_wait3A_112 : memref<4096x128xf32, #tpu.memory_space<hbm>>) dst(%dma_wait3A_106 : memref<128x128xf32, #tpu.memory_space<vmem>>)
    %add3A_113 = arith.constant 128 : i32
    %add3A_114 = arith.addi %mul3A_2, %add3A_113 : i32
    %dma_start3A_115 = arith.constant 1 : i32
    %dma_start3A_116 = arith.constant 0 : i32
    %dma_start3A_117 = arith.constant 0 : i32
    %dma_start3A_118 = tpu.memref_slice %arg6[%dma_start3A_115, %dma_start3A_116, %dma_start3A_117] : memref<4x128x128xf32, #tpu.memory_space<vmem>> -> memref<1x128x128xf32, #tpu.memory_space<vmem>>
    %dma_start3A_119 = tpu.memref_squeeze %dma_start3A_118 : memref<1x128x128xf32, #tpu.memory_space<vmem>> -> memref<128x128xf32, #tpu.memory_space<vmem>>
    %dma_start3A_120 = arith.constant 0 : i32
    %dma_start3A_121 = tpu.memref_slice %arg4[%add3A_114, %dma_start3A_120] : memref<81920x128xf32, #tpu.memory_space<hbm>> -> memref<128x128xf32, #tpu.memory_space<hbm>>
    %dma_start3A_122 = arith.constant 0 : i32
    %dma_start3A_123 = tpu.memref_slice %arg4[%add3A_114, %dma_start3A_122] : memref<81920x128xf32, #tpu.memory_space<hbm>> -> memref<128x128xf32, #tpu.memory_space<hbm>>
    %dma_start3A_124 = arith.constant 0 : i32
    %dma_start3A_125 = arith.constant 0 : i32
    %dma_start3A_126 = tpu.memref_slice %arg6[%dma_start3A_115, %dma_start3A_124, %dma_start3A_125] : memref<4x128x128xf32, #tpu.memory_space<vmem>> -> memref<1x128x128xf32, #tpu.memory_space<vmem>>
    %dma_start3A_127 = tpu.memref_squeeze %dma_start3A_126 : memref<1x128x128xf32, #tpu.memory_space<vmem>> -> memref<128x128xf32, #tpu.memory_space<vmem>>
    tpu.enqueue_dma source(%dma_start3A_127 : memref<128x128xf32, #tpu.memory_space<vmem>>) target(%dma_start3A_123 : memref<128x128xf32, #tpu.memory_space<hbm>>) target_semaphore(%arg12 : memref<!tpu.dma_semaphore, #tpu.memory_space<semaphore_mem>>)
    %dma_wait3A_128 = arith.constant 1 : i32
    %dma_wait3A_129 = arith.constant 0 : i32
    %dma_wait3A_130 = arith.constant 0 : i32
    %dma_wait3A_131 = tpu.memref_slice %arg6[%dma_wait3A_128, %dma_wait3A_129, %dma_wait3A_130] : memref<4x128x128xf32, #tpu.memory_space<vmem>> -> memref<1x128x128xf32, #tpu.memory_space<vmem>>
    %dma_wait3A_132 = tpu.memref_squeeze %dma_wait3A_131 : memref<1x128x128xf32, #tpu.memory_space<vmem>> -> memref<128x128xf32, #tpu.memory_space<vmem>>
    %dma_wait3A_133 = arith.constant 0 : i32
    %dma_wait3A_134 = tpu.memref_slice %arg4[%add3A_114, %dma_wait3A_133] : memref<81920x128xf32, #tpu.memory_space<hbm>> -> memref<128x128xf32, #tpu.memory_space<hbm>>
    %dma_wait3A_135 = arith.constant 0 : i32
    %dma_wait3A_136 = tpu.memref_slice %arg4[%add3A_114, %dma_wait3A_135] : memref<81920x128xf32, #tpu.memory_space<hbm>> -> memref<128x128xf32, #tpu.memory_space<hbm>>
    %dma_wait3A_137 = arith.constant 0 : i32
    %dma_wait3A_138 = arith.constant 0 : i32
    %dma_wait3A_139 = tpu.memref_slice %arg6[%dma_wait3A_128, %dma_wait3A_137, %dma_wait3A_138] : memref<4x128x128xf32, #tpu.memory_space<vmem>> -> memref<1x128x128xf32, #tpu.memory_space<vmem>>
    %dma_wait3A_140 = tpu.memref_squeeze %dma_wait3A_139 : memref<1x128x128xf32, #tpu.memory_space<vmem>> -> memref<128x128xf32, #tpu.memory_space<vmem>>
    tpu.wait_dma2 semaphore(%arg12 : memref<!tpu.dma_semaphore, #tpu.memory_space<semaphore_mem>>) src(%dma_wait3A_140 : memref<128x128xf32, #tpu.memory_space<vmem>>) dst(%dma_wait3A_136 : memref<128x128xf32, #tpu.memory_space<hbm>>)
    %dma_start3A_141 = arith.constant 5 : i32
    %dma_start3A_142 = arith.constant 1 : i32
    %dma_start3A_143 = arith.constant 0 : i32
    %dma_start3A_144 = arith.constant 0 : i32
    %dma_start3A_145 = tpu.memref_slice %arg6[%dma_start3A_142, %dma_start3A_143, %dma_start3A_144] : memref<4x128x128xf32, #tpu.memory_space<vmem>> -> memref<1x128x128xf32, #tpu.memory_space<vmem>>
    %dma_start3A_146 = tpu.memref_squeeze %dma_start3A_145 : memref<1x128x128xf32, #tpu.memory_space<vmem>> -> memref<128x128xf32, #tpu.memory_space<vmem>>
    %dma_start3A_147 = arith.constant 0 : i32
    %dma_start3A_148 = tpu.memref_slice %arg5[%dma_start3A_141, %dma_start3A_147] : memref<20x128xi32, #tpu.memory_space<vmem>> -> memref<1x128xi32, #tpu.memory_space<vmem>>
    %dma_start3A_149 = tpu.memref_squeeze %dma_start3A_148 : memref<1x128xi32, #tpu.memory_space<vmem>> -> memref<128xi32, #tpu.memory_space<vmem>>
    %dma_start3A_150 = arith.constant 0 : i32
    %dma_start3A_151 = arith.constant 0 : i32
    %dma_start3A_152 = tpu.memref_slice %arg2[%dma_start3A_150, %dma_start3A_151] : memref<4096x128xf32, #tpu.memory_space<hbm>> -> memref<4096x128xf32, #tpu.memory_space<hbm>>
    tpu.enqueue_indirect_dma source(%dma_start3A_152 : memref<4096x128xf32, #tpu.memory_space<hbm>>) target(%dma_start3A_146 : memref<128x128xf32, #tpu.memory_space<vmem>>) offsets(%dma_start3A_149 : memref<128xi32, #tpu.memory_space<vmem>>) semaphore(%arg8 : memref<!tpu.dma_semaphore, #tpu.memory_space<semaphore_mem>>)
    %dma_wait3A_153 = arith.constant 2 : i32
    %dma_wait3A_154 = arith.constant 2 : i32
    %dma_wait3A_155 = arith.constant 0 : i32
    %dma_wait3A_156 = arith.constant 0 : i32
    %dma_wait3A_157 = tpu.memref_slice %arg6[%dma_wait3A_154, %dma_wait3A_155, %dma_wait3A_156] : memref<4x128x128xf32, #tpu.memory_space<vmem>> -> memref<1x128x128xf32, #tpu.memory_space<vmem>>
    %dma_wait3A_158 = tpu.memref_squeeze %dma_wait3A_157 : memref<1x128x128xf32, #tpu.memory_space<vmem>> -> memref<128x128xf32, #tpu.memory_space<vmem>>
    %dma_wait3A_159 = arith.constant 0 : i32
    %dma_wait3A_160 = tpu.memref_slice %arg5[%dma_wait3A_153, %dma_wait3A_159] : memref<20x128xi32, #tpu.memory_space<vmem>> -> memref<1x128xi32, #tpu.memory_space<vmem>>
    %dma_wait3A_161 = tpu.memref_squeeze %dma_wait3A_160 : memref<1x128xi32, #tpu.memory_space<vmem>> -> memref<128xi32, #tpu.memory_space<vmem>>
    %dma_wait3A_162 = arith.constant 0 : i32
    %dma_wait3A_163 = arith.constant 0 : i32
    %dma_wait3A_164 = tpu.memref_slice %arg2[%dma_wait3A_162, %dma_wait3A_163] : memref<4096x128xf32, #tpu.memory_space<hbm>> -> memref<4096x128xf32, #tpu.memory_space<hbm>>
    tpu.wait_indirect_dma semaphore(%arg9 : memref<!tpu.dma_semaphore, #tpu.memory_space<semaphore_mem>>) src(%dma_wait3A_164 : memref<4096x128xf32, #tpu.memory_space<hbm>>) dst(%dma_wait3A_158 : memref<128x128xf32, #tpu.memory_space<vmem>>)
    %add3A_165 = arith.constant 256 : i32
    %add3A_166 = arith.addi %mul3A_2, %add3A_165 : i32
    %dma_start3A_167 = arith.constant 2 : i32
    %dma_start3A_168 = arith.constant 0 : i32
    %dma_start3A_169 = arith.constant 0 : i32
    %dma_start3A_170 = tpu.memref_slice %arg6[%dma_start3A_167, %dma_start3A_168, %dma_start3A_169] : memref<4x128x128xf32, #tpu.memory_space<vmem>> -> memref<1x128x128xf32, #tpu.memory_space<vmem>>
    %dma_start3A_171 = tpu.memref_squeeze %dma_start3A_170 : memref<1x128x128xf32, #tpu.memory_space<vmem>> -> memref<128x128xf32, #tpu.memory_space<vmem>>
    %dma_start3A_172 = arith.constant 0 : i32
    %dma_start3A_173 = tpu.memref_slice %arg4[%add3A_166, %dma_start3A_172] : memref<81920x128xf32, #tpu.memory_space<hbm>> -> memref<128x128xf32, #tpu.memory_space<hbm>>
    %dma_start3A_174 = arith.constant 0 : i32
    %dma_start3A_175 = tpu.memref_slice %arg4[%add3A_166, %dma_start3A_174] : memref<81920x128xf32, #tpu.memory_space<hbm>> -> memref<128x128xf32, #tpu.memory_space<hbm>>
    %dma_start3A_176 = arith.constant 0 : i32
    %dma_start3A_177 = arith.constant 0 : i32
    %dma_start3A_178 = tpu.memref_slice %arg6[%dma_start3A_167, %dma_start3A_176, %dma_start3A_177] : memref<4x128x128xf32, #tpu.memory_space<vmem>> -> memref<1x128x128xf32, #tpu.memory_space<vmem>>
    %dma_start3A_179 = tpu.memref_squeeze %dma_start3A_178 : memref<1x128x128xf32, #tpu.memory_space<vmem>> -> memref<128x128xf32, #tpu.memory_space<vmem>>
    tpu.enqueue_dma source(%dma_start3A_179 : memref<128x128xf32, #tpu.memory_space<vmem>>) target(%dma_start3A_175 : memref<128x128xf32, #tpu.memory_space<hbm>>) target_semaphore(%arg13 : memref<!tpu.dma_semaphore, #tpu.memory_space<semaphore_mem>>)
    %dma_wait3A_180 = arith.constant 2 : i32
    %dma_wait3A_181 = arith.constant 0 : i32
    %dma_wait3A_182 = arith.constant 0 : i32
    %dma_wait3A_183 = tpu.memref_slice %arg6[%dma_wait3A_180, %dma_wait3A_181, %dma_wait3A_182] : memref<4x128x128xf32, #tpu.memory_space<vmem>> -> memref<1x128x128xf32, #tpu.memory_space<vmem>>
    %dma_wait3A_184 = tpu.memref_squeeze %dma_wait3A_183 : memref<1x128x128xf32, #tpu.memory_space<vmem>> -> memref<128x128xf32, #tpu.memory_space<vmem>>
    %dma_wait3A_185 = arith.constant 0 : i32
    %dma_wait3A_186 = tpu.memref_slice %arg4[%add3A_166, %dma_wait3A_185] : memref<81920x128xf32, #tpu.memory_space<hbm>> -> memref<128x128xf32, #tpu.memory_space<hbm>>
    %dma_wait3A_187 = arith.constant 0 : i32
    %dma_wait3A_188 = tpu.memref_slice %arg4[%add3A_166, %dma_wait3A_187] : memref<81920x128xf32, #tpu.memory_space<hbm>> -> memref<128x128xf32, #tpu.memory_space<hbm>>
    %dma_wait3A_189 = arith.constant 0 : i32
    %dma_wait3A_190 = arith.constant 0 : i32
    %dma_wait3A_191 = tpu.memref_slice %arg6[%dma_wait3A_180, %dma_wait3A_189, %dma_wait3A_190] : memref<4x128x128xf32, #tpu.memory_space<vmem>> -> memref<1x128x128xf32, #tpu.memory_space<vmem>>
    %dma_wait3A_192 = tpu.memref_squeeze %dma_wait3A_191 : memref<1x128x128xf32, #tpu.memory_space<vmem>> -> memref<128x128xf32, #tpu.memory_space<vmem>>
    tpu.wait_dma2 semaphore(%arg13 : memref<!tpu.dma_semaphore, #tpu.memory_space<semaphore_mem>>) src(%dma_wait3A_192 : memref<128x128xf32, #tpu.memory_space<vmem>>) dst(%dma_wait3A_188 : memref<128x128xf32, #tpu.memory_space<hbm>>)
    %dma_start3A_193 = arith.constant 6 : i32
    %dma_start3A_194 = arith.constant 2 : i32
    %dma_start3A_195 = arith.constant 0 : i32
    %dma_start3A_196 = arith.constant 0 : i32
    %dma_start3A_197 = tpu.memref_slice %arg6[%dma_start3A_194, %dma_start3A_195, %dma_start3A_196] : memref<4x128x128xf32, #tpu.memory_space<vmem>> -> memref<1x128x128xf32, #tpu.memory_space<vmem>>
    %dma_start3A_198 = tpu.memref_squeeze %dma_start3A_197 : memref<1x128x128xf32, #tpu.memory_space<vmem>> -> memref<128x128xf32, #tpu.memory_space<vmem>>
    %dma_start3A_199 = arith.constant 0 : i32
    %dma_start3A_200 = tpu.memref_slice %arg5[%dma_start3A_193, %dma_start3A_199] : memref<20x128xi32, #tpu.memory_space<vmem>> -> memref<1x128xi32, #tpu.memory_space<vmem>>
    %dma_start3A_201 = tpu.memref_squeeze %dma_start3A_200 : memref<1x128xi32, #tpu.memory_space<vmem>> -> memref<128xi32, #tpu.memory_space<vmem>>
    %dma_start3A_202 = arith.constant 0 : i32
    %dma_start3A_203 = arith.constant 0 : i32
    %dma_start3A_204 = tpu.memref_slice %arg2[%dma_start3A_202, %dma_start3A_203] : memref<4096x128xf32, #tpu.memory_space<hbm>> -> memref<4096x128xf32, #tpu.memory_space<hbm>>
    tpu.enqueue_indirect_dma source(%dma_start3A_204 : memref<4096x128xf32, #tpu.memory_space<hbm>>) target(%dma_start3A_198 : memref<128x128xf32, #tpu.memory_space<vmem>>) offsets(%dma_start3A_201 : memref<128xi32, #tpu.memory_space<vmem>>) semaphore(%arg9 : memref<!tpu.dma_semaphore, #tpu.memory_space<semaphore_mem>>)
    %dma_wait3A_205 = arith.constant 3 : i32
    %dma_wait3A_206 = arith.constant 3 : i32
    %dma_wait3A_207 = arith.constant 0 : i32
    %dma_wait3A_208 = arith.constant 0 : i32
    %dma_wait3A_209 = tpu.memref_slice %arg6[%dma_wait3A_206, %dma_wait3A_207, %dma_wait3A_208] : memref<4x128x128xf32, #tpu.memory_space<vmem>> -> memref<1x128x128xf32, #tpu.memory_space<vmem>>
    %dma_wait3A_210 = tpu.memref_squeeze %dma_wait3A_209 : memref<1x128x128xf32, #tpu.memory_space<vmem>> -> memref<128x128xf32, #tpu.memory_space<vmem>>
    %dma_wait3A_211 = arith.constant 0 : i32
    %dma_wait3A_212 = tpu.memref_slice %arg5[%dma_wait3A_205, %dma_wait3A_211] : memref<20x128xi32, #tpu.memory_space<vmem>> -> memref<1x128xi32, #tpu.memory_space<vmem>>
    %dma_wait3A_213 = tpu.memref_squeeze %dma_wait3A_212 : memref<1x128xi32, #tpu.memory_space<vmem>> -> memref<128xi32, #tpu.memory_space<vmem>>
    %dma_wait3A_214 = arith.constant 0 : i32
    %dma_wait3A_215 = arith.constant 0 : i32
    %dma_wait3A_216 = tpu.memref_slice %arg2[%dma_wait3A_214, %dma_wait3A_215] : memref<4096x128xf32, #tpu.memory_space<hbm>> -> memref<4096x128xf32, #tpu.memory_space<hbm>>
    tpu.wait_indirect_dma semaphore(%arg10 : memref<!tpu.dma_semaphore, #tpu.memory_space<semaphore_mem>>) src(%dma_wait3A_216 : memref<4096x128xf32, #tpu.memory_space<hbm>>) dst(%dma_wait3A_210 : memref<128x128xf32, #tpu.memory_space<vmem>>)
    %add3A_217 = arith.constant 384 : i32
    %add3A_218 = arith.addi %mul3A_2, %add3A_217 : i32
    %dma_start3A_219 = arith.constant 3 : i32
    %dma_start3A_220 = arith.constant 0 : i32
    %dma_start3A_221 = arith.constant 0 : i32
    %dma_start3A_222 = tpu.memref_slice %arg6[%dma_start3A_219, %dma_start3A_220, %dma_start3A_221] : memref<4x128x128xf32, #tpu.memory_space<vmem>> -> memref<1x128x128xf32, #tpu.memory_space<vmem>>
    %dma_start3A_223 = tpu.memref_squeeze %dma_start3A_222 : memref<1x128x128xf32, #tpu.memory_space<vmem>> -> memref<128x128xf32, #tpu.memory_space<vmem>>
    %dma_start3A_224 = arith.constant 0 : i32
    %dma_start3A_225 = tpu.memref_slice %arg4[%add3A_218, %dma_start3A_224] : memref<81920x128xf32, #tpu.memory_space<hbm>> -> memref<128x128xf32, #tpu.memory_space<hbm>>
    %dma_start3A_226 = arith.constant 0 : i32
    %dma_start3A_227 = tpu.memref_slice %arg4[%add3A_218, %dma_start3A_226] : memref<81920x128xf32, #tpu.memory_space<hbm>> -> memref<128x128xf32, #tpu.memory_space<hbm>>
    %dma_start3A_228 = arith.constant 0 : i32
    %dma_start3A_229 = arith.constant 0 : i32
    %dma_start3A_230 = tpu.memref_slice %arg6[%dma_start3A_219, %dma_start3A_228, %dma_start3A_229] : memref<4x128x128xf32, #tpu.memory_space<vmem>> -> memref<1x128x128xf32, #tpu.memory_space<vmem>>
    %dma_start3A_231 = tpu.memref_squeeze %dma_start3A_230 : memref<1x128x128xf32, #tpu.memory_space<vmem>> -> memref<128x128xf32, #tpu.memory_space<vmem>>
    tpu.enqueue_dma source(%dma_start3A_231 : memref<128x128xf32, #tpu.memory_space<vmem>>) target(%dma_start3A_227 : memref<128x128xf32, #tpu.memory_space<hbm>>) target_semaphore(%arg14 : memref<!tpu.dma_semaphore, #tpu.memory_space<semaphore_mem>>)
    %dma_wait3A_232 = arith.constant 3 : i32
    %dma_wait3A_233 = arith.constant 0 : i32
    %dma_wait3A_234 = arith.constant 0 : i32
    %dma_wait3A_235 = tpu.memref_slice %arg6[%dma_wait3A_232, %dma_wait3A_233, %dma_wait3A_234] : memref<4x128x128xf32, #tpu.memory_space<vmem>> -> memref<1x128x128xf32, #tpu.memory_space<vmem>>
    %dma_wait3A_236 = tpu.memref_squeeze %dma_wait3A_235 : memref<1x128x128xf32, #tpu.memory_space<vmem>> -> memref<128x128xf32, #tpu.memory_space<vmem>>
    %dma_wait3A_237 = arith.constant 0 : i32
    %dma_wait3A_238 = tpu.memref_slice %arg4[%add3A_218, %dma_wait3A_237] : memref<81920x128xf32, #tpu.memory_space<hbm>> -> memref<128x128xf32, #tpu.memory_space<hbm>>
    %dma_wait3A_239 = arith.constant 0 : i32
    %dma_wait3A_240 = tpu.memref_slice %arg4[%add3A_218, %dma_wait3A_239] : memref<81920x128xf32, #tpu.memory_space<hbm>> -> memref<128x128xf32, #tpu.memory_space<hbm>>
    %dma_wait3A_241 = arith.constant 0 : i32
    %dma_wait3A_242 = arith.constant 0 : i32
    %dma_wait3A_243 = tpu.memref_slice %arg6[%dma_wait3A_232, %dma_wait3A_241, %dma_wait3A_242] : memref<4x128x128xf32, #tpu.memory_space<vmem>> -> memref<1x128x128xf32, #tpu.memory_space<vmem>>
    %dma_wait3A_244 = tpu.memref_squeeze %dma_wait3A_243 : memref<1x128x128xf32, #tpu.memory_space<vmem>> -> memref<128x128xf32, #tpu.memory_space<vmem>>
    tpu.wait_dma2 semaphore(%arg14 : memref<!tpu.dma_semaphore, #tpu.memory_space<semaphore_mem>>) src(%dma_wait3A_244 : memref<128x128xf32, #tpu.memory_space<vmem>>) dst(%dma_wait3A_240 : memref<128x128xf32, #tpu.memory_space<hbm>>)
    %dma_start3A_245 = arith.constant 7 : i32
    %dma_start3A_246 = arith.constant 3 : i32
    %dma_start3A_247 = arith.constant 0 : i32
    %dma_start3A_248 = arith.constant 0 : i32
    %dma_start3A_249 = tpu.memref_slice %arg6[%dma_start3A_246, %dma_start3A_247, %dma_start3A_248] : memref<4x128x128xf32, #tpu.memory_space<vmem>> -> memref<1x128x128xf32, #tpu.memory_space<vmem>>
    %dma_start3A_250 = tpu.memref_squeeze %dma_start3A_249 : memref<1x128x128xf32, #tpu.memory_space<vmem>> -> memref<128x128xf32, #tpu.memory_space<vmem>>
    %dma_start3A_251 = arith.constant 0 : i32
    %dma_start3A_252 = tpu.memref_slice %arg5[%dma_start3A_245, %dma_start3A_251] : memref<20x128xi32, #tpu.memory_space<vmem>> -> memref<1x128xi32, #tpu.memory_space<vmem>>
    %dma_start3A_253 = tpu.memref_squeeze %dma_start3A_252 : memref<1x128xi32, #tpu.memory_space<vmem>> -> memref<128xi32, #tpu.memory_space<vmem>>
    %dma_start3A_254 = arith.constant 0 : i32
    %dma_start3A_255 = arith.constant 0 : i32
    %dma_start3A_256 = tpu.memref_slice %arg2[%dma_start3A_254, %dma_start3A_255] : memref<4096x128xf32, #tpu.memory_space<hbm>> -> memref<4096x128xf32, #tpu.memory_space<hbm>>
    tpu.enqueue_indirect_dma source(%dma_start3A_256 : memref<4096x128xf32, #tpu.memory_space<hbm>>) target(%dma_start3A_250 : memref<128x128xf32, #tpu.memory_space<vmem>>) offsets(%dma_start3A_253 : memref<128xi32, #tpu.memory_space<vmem>>) semaphore(%arg10 : memref<!tpu.dma_semaphore, #tpu.memory_space<semaphore_mem>>)
    %dma_wait3A_257 = arith.constant 4 : i32
    %dma_wait3A_258 = arith.constant 0 : i32
    %dma_wait3A_259 = arith.constant 0 : i32
    %dma_wait3A_260 = arith.constant 0 : i32
    %dma_wait3A_261 = tpu.memref_slice %arg6[%dma_wait3A_258, %dma_wait3A_259, %dma_wait3A_260] : memref<4x128x128xf32, #tpu.memory_space<vmem>> -> memref<1x128x128xf32, #tpu.memory_space<vmem>>
    %dma_wait3A_262 = tpu.memref_squeeze %dma_wait3A_261 : memref<1x128x128xf32, #tpu.memory_space<vmem>> -> memref<128x128xf32, #tpu.memory_space<vmem>>
    %dma_wait3A_263 = arith.constant 0 : i32
    %dma_wait3A_264 = tpu.memref_slice %arg5[%dma_wait3A_257, %dma_wait3A_263] : memref<20x128xi32, #tpu.memory_space<vmem>> -> memref<1x128xi32, #tpu.memory_space<vmem>>
    %dma_wait3A_265 = tpu.memref_squeeze %dma_wait3A_264 : memref<1x128xi32, #tpu.memory_space<vmem>> -> memref<128xi32, #tpu.memory_space<vmem>>
    %dma_wait3A_266 = arith.constant 0 : i32
    %dma_wait3A_267 = arith.constant 0 : i32
    %dma_wait3A_268 = tpu.memref_slice %arg2[%dma_wait3A_266, %dma_wait3A_267] : memref<4096x128xf32, #tpu.memory_space<hbm>> -> memref<4096x128xf32, #tpu.memory_space<hbm>>
    tpu.wait_indirect_dma semaphore(%arg7 : memref<!tpu.dma_semaphore, #tpu.memory_space<semaphore_mem>>) src(%dma_wait3A_268 : memref<4096x128xf32, #tpu.memory_space<hbm>>) dst(%dma_wait3A_262 : memref<128x128xf32, #tpu.memory_space<vmem>>)
    %add3A_269 = arith.constant 512 : i32
    %add3A_270 = arith.addi %mul3A_2, %add3A_269 : i32
    %dma_start3A_271 = arith.constant 0 : i32
    %dma_start3A_272 = arith.constant 0 : i32
    %dma_start3A_273 = arith.constant 0 : i32
    %dma_start3A_274 = tpu.memref_slice %arg6[%dma_start3A_271, %dma_start3A_272, %dma_start3A_273] : memref<4x128x128xf32, #tpu.memory_space<vmem>> -> memref<1x128x128xf32, #tpu.memory_space<vmem>>
    %dma_start3A_275 = tpu.memref_squeeze %dma_start3A_274 : memref<1x128x128xf32, #tpu.memory_space<vmem>> -> memref<128x128xf32, #tpu.memory_space<vmem>>
    %dma_start3A_276 = arith.constant 0 : i32
    %dma_start3A_277 = tpu.memref_slice %arg4[%add3A_270, %dma_start3A_276] : memref<81920x128xf32, #tpu.memory_space<hbm>> -> memref<128x128xf32, #tpu.memory_space<hbm>>
    %dma_start3A_278 = arith.constant 0 : i32
    %dma_start3A_279 = tpu.memref_slice %arg4[%add3A_270, %dma_start3A_278] : memref<81920x128xf32, #tpu.memory_space<hbm>> -> memref<128x128xf32, #tpu.memory_space<hbm>>
    %dma_start3A_280 = arith.constant 0 : i32
    %dma_start3A_281 = arith.constant 0 : i32
    %dma_start3A_282 = tpu.memref_slice %arg6[%dma_start3A_271, %dma_start3A_280, %dma_start3A_281] : memref<4x128x128xf32, #tpu.memory_space<vmem>> -> memref<1x128x128xf32, #tpu.memory_space<vmem>>
    %dma_start3A_283 = tpu.memref_squeeze %dma_start3A_282 : memref<1x128x128xf32, #tpu.memory_space<vmem>> -> memref<128x128xf32, #tpu.memory_space<vmem>>
    tpu.enqueue_dma source(%dma_start3A_283 : memref<128x128xf32, #tpu.memory_space<vmem>>) target(%dma_start3A_279 : memref<128x128xf32, #tpu.memory_space<hbm>>) target_semaphore(%arg11 : memref<!tpu.dma_semaphore, #tpu.memory_space<semaphore_mem>>)
    %dma_wait3A_284 = arith.constant 0 : i32
    %dma_wait3A_285 = arith.constant 0 : i32
    %dma_wait3A_286 = arith.constant 0 : i32
    %dma_wait3A_287 = tpu.memref_slice %arg6[%dma_wait3A_284, %dma_wait3A_285, %dma_wait3A_286] : memref<4x128x128xf32, #tpu.memory_space<vmem>> -> memref<1x128x128xf32, #tpu.memory_space<vmem>>
    %dma_wait3A_288 = tpu.memref_squeeze %dma_wait3A_287 : memref<1x128x128xf32, #tpu.memory_space<vmem>> -> memref<128x128xf32, #tpu.memory_space<vmem>>
    %dma_wait3A_289 = arith.constant 0 : i32
    %dma_wait3A_290 = tpu.memref_slice %arg4[%add3A_270, %dma_wait3A_289] : memref<81920x128xf32, #tpu.memory_space<hbm>> -> memref<128x128xf32, #tpu.memory_space<hbm>>
    %dma_wait3A_291 = arith.constant 0 : i32
    %dma_wait3A_292 = tpu.memref_slice %arg4[%add3A_270, %dma_wait3A_291] : memref<81920x128xf32, #tpu.memory_space<hbm>> -> memref<128x128xf32, #tpu.memory_space<hbm>>
    %dma_wait3A_293 = arith.constant 0 : i32
    %dma_wait3A_294 = arith.constant 0 : i32
    %dma_wait3A_295 = tpu.memref_slice %arg6[%dma_wait3A_284, %dma_wait3A_293, %dma_wait3A_294] : memref<4x128x128xf32, #tpu.memory_space<vmem>> -> memref<1x128x128xf32, #tpu.memory_space<vmem>>
    %dma_wait3A_296 = tpu.memref_squeeze %dma_wait3A_295 : memref<1x128x128xf32, #tpu.memory_space<vmem>> -> memref<128x128xf32, #tpu.memory_space<vmem>>
    tpu.wait_dma2 semaphore(%arg11 : memref<!tpu.dma_semaphore, #tpu.memory_space<semaphore_mem>>) src(%dma_wait3A_296 : memref<128x128xf32, #tpu.memory_space<vmem>>) dst(%dma_wait3A_292 : memref<128x128xf32, #tpu.memory_space<hbm>>)
    %dma_start3A_297 = arith.constant 8 : i32
    %dma_start3A_298 = arith.constant 0 : i32
    %dma_start3A_299 = arith.constant 0 : i32
    %dma_start3A_300 = arith.constant 0 : i32
    %dma_start3A_301 = tpu.memref_slice %arg6[%dma_start3A_298, %dma_start3A_299, %dma_start3A_300] : memref<4x128x128xf32, #tpu.memory_space<vmem>> -> memref<1x128x128xf32, #tpu.memory_space<vmem>>
    %dma_start3A_302 = tpu.memref_squeeze %dma_start3A_301 : memref<1x128x128xf32, #tpu.memory_space<vmem>> -> memref<128x128xf32, #tpu.memory_space<vmem>>
    %dma_start3A_303 = arith.constant 0 : i32
    %dma_start3A_304 = tpu.memref_slice %arg5[%dma_start3A_297, %dma_start3A_303] : memref<20x128xi32, #tpu.memory_space<vmem>> -> memref<1x128xi32, #tpu.memory_space<vmem>>
    %dma_start3A_305 = tpu.memref_squeeze %dma_start3A_304 : memref<1x128xi32, #tpu.memory_space<vmem>> -> memref<128xi32, #tpu.memory_space<vmem>>
    %dma_start3A_306 = arith.constant 0 : i32
    %dma_start3A_307 = arith.constant 0 : i32
    %dma_start3A_308 = tpu.memref_slice %arg2[%dma_start3A_306, %dma_start3A_307] : memref<4096x128xf32, #tpu.memory_space<hbm>> -> memref<4096x128xf32, #tpu.memory_space<hbm>>
    tpu.enqueue_indirect_dma source(%dma_start3A_308 : memref<4096x128xf32, #tpu.memory_space<hbm>>) target(%dma_start3A_302 : memref<128x128xf32, #tpu.memory_space<vmem>>) offsets(%dma_start3A_305 : memref<128xi32, #tpu.memory_space<vmem>>) semaphore(%arg7 : memref<!tpu.dma_semaphore, #tpu.memory_space<semaphore_mem>>)
    %dma_wait3A_309 = arith.constant 5 : i32
    %dma_wait3A_310 = arith.constant 1 : i32
    %dma_wait3A_311 = arith.constant 0 : i32
    %dma_wait3A_312 = arith.constant 0 : i32
    %dma_wait3A_313 = tpu.memref_slice %arg6[%dma_wait3A_310, %dma_wait3A_311, %dma_wait3A_312] : memref<4x128x128xf32, #tpu.memory_space<vmem>> -> memref<1x128x128xf32, #tpu.memory_space<vmem>>
    %dma_wait3A_314 = tpu.memref_squeeze %dma_wait3A_313 : memref<1x128x128xf32, #tpu.memory_space<vmem>> -> memref<128x128xf32, #tpu.memory_space<vmem>>
    %dma_wait3A_315 = arith.constant 0 : i32
    %dma_wait3A_316 = tpu.memref_slice %arg5[%dma_wait3A_309, %dma_wait3A_315] : memref<20x128xi32, #tpu.memory_space<vmem>> -> memref<1x128xi32, #tpu.memory_space<vmem>>
    %dma_wait3A_317 = tpu.memref_squeeze %dma_wait3A_316 : memref<1x128xi32, #tpu.memory_space<vmem>> -> memref<128xi32, #tpu.memory_space<vmem>>
    %dma_wait3A_318 = arith.constant 0 : i32
    %dma_wait3A_319 = arith.constant 0 : i32
    %dma_wait3A_320 = tpu.memref_slice %arg2[%dma_wait3A_318, %dma_wait3A_319] : memref<4096x128xf32, #tpu.memory_space<hbm>> -> memref<4096x128xf32, #tpu.memory_space<hbm>>
    tpu.wait_indirect_dma semaphore(%arg8 : memref<!tpu.dma_semaphore, #tpu.memory_space<semaphore_mem>>) src(%dma_wait3A_320 : memref<4096x128xf32, #tpu.memory_space<hbm>>) dst(%dma_wait3A_314 : memref<128x128xf32, #tpu.memory_space<vmem>>)
    %add3A_321 = arith.constant 640 : i32
    %add3A_322 = arith.addi %mul3A_2, %add3A_321 : i32
    %dma_start3A_323 = arith.constant 1 : i32
    %dma_start3A_324 = arith.constant 0 : i32
    %dma_start3A_325 = arith.constant 0 : i32
    %dma_start3A_326 = tpu.memref_slice %arg6[%dma_start3A_323, %dma_start3A_324, %dma_start3A_325] : memref<4x128x128xf32, #tpu.memory_space<vmem>> -> memref<1x128x128xf32, #tpu.memory_space<vmem>>
    %dma_start3A_327 = tpu.memref_squeeze %dma_start3A_326 : memref<1x128x128xf32, #tpu.memory_space<vmem>> -> memref<128x128xf32, #tpu.memory_space<vmem>>
    %dma_start3A_328 = arith.constant 0 : i32
    %dma_start3A_329 = tpu.memref_slice %arg4[%add3A_322, %dma_start3A_328] : memref<81920x128xf32, #tpu.memory_space<hbm>> -> memref<128x128xf32, #tpu.memory_space<hbm>>
    %dma_start3A_330 = arith.constant 0 : i32
    %dma_start3A_331 = tpu.memref_slice %arg4[%add3A_322, %dma_start3A_330] : memref<81920x128xf32, #tpu.memory_space<hbm>> -> memref<128x128xf32, #tpu.memory_space<hbm>>
    %dma_start3A_332 = arith.constant 0 : i32
    %dma_start3A_333 = arith.constant 0 : i32
    %dma_start3A_334 = tpu.memref_slice %arg6[%dma_start3A_323, %dma_start3A_332, %dma_start3A_333] : memref<4x128x128xf32, #tpu.memory_space<vmem>> -> memref<1x128x128xf32, #tpu.memory_space<vmem>>
    %dma_start3A_335 = tpu.memref_squeeze %dma_start3A_334 : memref<1x128x128xf32, #tpu.memory_space<vmem>> -> memref<128x128xf32, #tpu.memory_space<vmem>>
    tpu.enqueue_dma source(%dma_start3A_335 : memref<128x128xf32, #tpu.memory_space<vmem>>) target(%dma_start3A_331 : memref<128x128xf32, #tpu.memory_space<hbm>>) target_semaphore(%arg12 : memref<!tpu.dma_semaphore, #tpu.memory_space<semaphore_mem>>)
    %dma_wait3A_336 = arith.constant 1 : i32
    %dma_wait3A_337 = arith.constant 0 : i32
    %dma_wait3A_338 = arith.constant 0 : i32
    %dma_wait3A_339 = tpu.memref_slice %arg6[%dma_wait3A_336, %dma_wait3A_337, %dma_wait3A_338] : memref<4x128x128xf32, #tpu.memory_space<vmem>> -> memref<1x128x128xf32, #tpu.memory_space<vmem>>
    %dma_wait3A_340 = tpu.memref_squeeze %dma_wait3A_339 : memref<1x128x128xf32, #tpu.memory_space<vmem>> -> memref<128x128xf32, #tpu.memory_space<vmem>>
    %dma_wait3A_341 = arith.constant 0 : i32
    %dma_wait3A_342 = tpu.memref_slice %arg4[%add3A_322, %dma_wait3A_341] : memref<81920x128xf32, #tpu.memory_space<hbm>> -> memref<128x128xf32, #tpu.memory_space<hbm>>
    %dma_wait3A_343 = arith.constant 0 : i32
    %dma_wait3A_344 = tpu.memref_slice %arg4[%add3A_322, %dma_wait3A_343] : memref<81920x128xf32, #tpu.memory_space<hbm>> -> memref<128x128xf32, #tpu.memory_space<hbm>>
    %dma_wait3A_345 = arith.constant 0 : i32
    %dma_wait3A_346 = arith.constant 0 : i32
    %dma_wait3A_347 = tpu.memref_slice %arg6[%dma_wait3A_336, %dma_wait3A_345, %dma_wait3A_346] : memref<4x128x128xf32, #tpu.memory_space<vmem>> -> memref<1x128x128xf32, #tpu.memory_space<vmem>>
    %dma_wait3A_348 = tpu.memref_squeeze %dma_wait3A_347 : memref<1x128x128xf32, #tpu.memory_space<vmem>> -> memref<128x128xf32, #tpu.memory_space<vmem>>
    tpu.wait_dma2 semaphore(%arg12 : memref<!tpu.dma_semaphore, #tpu.memory_space<semaphore_mem>>) src(%dma_wait3A_348 : memref<128x128xf32, #tpu.memory_space<vmem>>) dst(%dma_wait3A_344 : memref<128x128xf32, #tpu.memory_space<hbm>>)
    %dma_start3A_349 = arith.constant 9 : i32
    %dma_start3A_350 = arith.constant 1 : i32
    %dma_start3A_351 = arith.constant 0 : i32
    %dma_start3A_352 = arith.constant 0 : i32
    %dma_start3A_353 = tpu.memref_slice %arg6[%dma_start3A_350, %dma_start3A_351, %dma_start3A_352] : memref<4x128x128xf32, #tpu.memory_space<vmem>> -> memref<1x128x128xf32, #tpu.memory_space<vmem>>
    %dma_start3A_354 = tpu.memref_squeeze %dma_start3A_353 : memref<1x128x128xf32, #tpu.memory_space<vmem>> -> memref<128x128xf32, #tpu.memory_space<vmem>>
    %dma_start3A_355 = arith.constant 0 : i32
    %dma_start3A_356 = tpu.memref_slice %arg5[%dma_start3A_349, %dma_start3A_355] : memref<20x128xi32, #tpu.memory_space<vmem>> -> memref<1x128xi32, #tpu.memory_space<vmem>>
    %dma_start3A_357 = tpu.memref_squeeze %dma_start3A_356 : memref<1x128xi32, #tpu.memory_space<vmem>> -> memref<128xi32, #tpu.memory_space<vmem>>
    %dma_start3A_358 = arith.constant 0 : i32
    %dma_start3A_359 = arith.constant 0 : i32
    %dma_start3A_360 = tpu.memref_slice %arg2[%dma_start3A_358, %dma_start3A_359] : memref<4096x128xf32, #tpu.memory_space<hbm>> -> memref<4096x128xf32, #tpu.memory_space<hbm>>
    tpu.enqueue_indirect_dma source(%dma_start3A_360 : memref<4096x128xf32, #tpu.memory_space<hbm>>) target(%dma_start3A_354 : memref<128x128xf32, #tpu.memory_space<vmem>>) offsets(%dma_start3A_357 : memref<128xi32, #tpu.memory_space<vmem>>) semaphore(%arg8 : memref<!tpu.dma_semaphore, #tpu.memory_space<semaphore_mem>>)
    %dma_wait3A_361 = arith.constant 6 : i32
    %dma_wait3A_362 = arith.constant 2 : i32
    %dma_wait3A_363 = arith.constant 0 : i32
    %dma_wait3A_364 = arith.constant 0 : i32
    %dma_wait3A_365 = tpu.memref_slice %arg6[%dma_wait3A_362, %dma_wait3A_363, %dma_wait3A_364] : memref<4x128x128xf32, #tpu.memory_space<vmem>> -> memref<1x128x128xf32, #tpu.memory_space<vmem>>
    %dma_wait3A_366 = tpu.memref_squeeze %dma_wait3A_365 : memref<1x128x128xf32, #tpu.memory_space<vmem>> -> memref<128x128xf32, #tpu.memory_space<vmem>>
    %dma_wait3A_367 = arith.constant 0 : i32
    %dma_wait3A_368 = tpu.memref_slice %arg5[%dma_wait3A_361, %dma_wait3A_367] : memref<20x128xi32, #tpu.memory_space<vmem>> -> memref<1x128xi32, #tpu.memory_space<vmem>>
    %dma_wait3A_369 = tpu.memref_squeeze %dma_wait3A_368 : memref<1x128xi32, #tpu.memory_space<vmem>> -> memref<128xi32, #tpu.memory_space<vmem>>
    %dma_wait3A_370 = arith.constant 0 : i32
    %dma_wait3A_371 = arith.constant 0 : i32
    %dma_wait3A_372 = tpu.memref_slice %arg2[%dma_wait3A_370, %dma_wait3A_371] : memref<4096x128xf32, #tpu.memory_space<hbm>> -> memref<4096x128xf32, #tpu.memory_space<hbm>>
    tpu.wait_indirect_dma semaphore(%arg9 : memref<!tpu.dma_semaphore, #tpu.memory_space<semaphore_mem>>) src(%dma_wait3A_372 : memref<4096x128xf32, #tpu.memory_space<hbm>>) dst(%dma_wait3A_366 : memref<128x128xf32, #tpu.memory_space<vmem>>)
    %add3A_373 = arith.constant 768 : i32
    %add3A_374 = arith.addi %mul3A_2, %add3A_373 : i32
    %dma_start3A_375 = arith.constant 2 : i32
    %dma_start3A_376 = arith.constant 0 : i32
    %dma_start3A_377 = arith.constant 0 : i32
    %dma_start3A_378 = tpu.memref_slice %arg6[%dma_start3A_375, %dma_start3A_376, %dma_start3A_377] : memref<4x128x128xf32, #tpu.memory_space<vmem>> -> memref<1x128x128xf32, #tpu.memory_space<vmem>>
    %dma_start3A_379 = tpu.memref_squeeze %dma_start3A_378 : memref<1x128x128xf32, #tpu.memory_space<vmem>> -> memref<128x128xf32, #tpu.memory_space<vmem>>
    %dma_start3A_380 = arith.constant 0 : i32
    %dma_start3A_381 = tpu.memref_slice %arg4[%add3A_374, %dma_start3A_380] : memref<81920x128xf32, #tpu.memory_space<hbm>> -> memref<128x128xf32, #tpu.memory_space<hbm>>
    %dma_start3A_382 = arith.constant 0 : i32
    %dma_start3A_383 = tpu.memref_slice %arg4[%add3A_374, %dma_start3A_382] : memref<81920x128xf32, #tpu.memory_space<hbm>> -> memref<128x128xf32, #tpu.memory_space<hbm>>
    %dma_start3A_384 = arith.constant 0 : i32
    %dma_start3A_385 = arith.constant 0 : i32
    %dma_start3A_386 = tpu.memref_slice %arg6[%dma_start3A_375, %dma_start3A_384, %dma_start3A_385] : memref<4x128x128xf32, #tpu.memory_space<vmem>> -> memref<1x128x128xf32, #tpu.memory_space<vmem>>
    %dma_start3A_387 = tpu.memref_squeeze %dma_start3A_386 : memref<1x128x128xf32, #tpu.memory_space<vmem>> -> memref<128x128xf32, #tpu.memory_space<vmem>>
    tpu.enqueue_dma source(%dma_start3A_387 : memref<128x128xf32, #tpu.memory_space<vmem>>) target(%dma_start3A_383 : memref<128x128xf32, #tpu.memory_space<hbm>>) target_semaphore(%arg13 : memref<!tpu.dma_semaphore, #tpu.memory_space<semaphore_mem>>)
    %dma_wait3A_388 = arith.constant 2 : i32
    %dma_wait3A_389 = arith.constant 0 : i32
    %dma_wait3A_390 = arith.constant 0 : i32
    %dma_wait3A_391 = tpu.memref_slice %arg6[%dma_wait3A_388, %dma_wait3A_389, %dma_wait3A_390] : memref<4x128x128xf32, #tpu.memory_space<vmem>> -> memref<1x128x128xf32, #tpu.memory_space<vmem>>
    %dma_wait3A_392 = tpu.memref_squeeze %dma_wait3A_391 : memref<1x128x128xf32, #tpu.memory_space<vmem>> -> memref<128x128xf32, #tpu.memory_space<vmem>>
    %dma_wait3A_393 = arith.constant 0 : i32
    %dma_wait3A_394 = tpu.memref_slice %arg4[%add3A_374, %dma_wait3A_393] : memref<81920x128xf32, #tpu.memory_space<hbm>> -> memref<128x128xf32, #tpu.memory_space<hbm>>
    %dma_wait3A_395 = arith.constant 0 : i32
    %dma_wait3A_396 = tpu.memref_slice %arg4[%add3A_374, %dma_wait3A_395] : memref<81920x128xf32, #tpu.memory_space<hbm>> -> memref<128x128xf32, #tpu.memory_space<hbm>>
    %dma_wait3A_397 = arith.constant 0 : i32
    %dma_wait3A_398 = arith.constant 0 : i32
    %dma_wait3A_399 = tpu.memref_slice %arg6[%dma_wait3A_388, %dma_wait3A_397, %dma_wait3A_398] : memref<4x128x128xf32, #tpu.memory_space<vmem>> -> memref<1x128x128xf32, #tpu.memory_space<vmem>>
    %dma_wait3A_400 = tpu.memref_squeeze %dma_wait3A_399 : memref<1x128x128xf32, #tpu.memory_space<vmem>> -> memref<128x128xf32, #tpu.memory_space<vmem>>
    tpu.wait_dma2 semaphore(%arg13 : memref<!tpu.dma_semaphore, #tpu.memory_space<semaphore_mem>>) src(%dma_wait3A_400 : memref<128x128xf32, #tpu.memory_space<vmem>>) dst(%dma_wait3A_396 : memref<128x128xf32, #tpu.memory_space<hbm>>)
    %dma_start3A_401 = arith.constant 10 : i32
    %dma_start3A_402 = arith.constant 2 : i32
    %dma_start3A_403 = arith.constant 0 : i32
    %dma_start3A_404 = arith.constant 0 : i32
    %dma_start3A_405 = tpu.memref_slice %arg6[%dma_start3A_402, %dma_start3A_403, %dma_start3A_404] : memref<4x128x128xf32, #tpu.memory_space<vmem>> -> memref<1x128x128xf32, #tpu.memory_space<vmem>>
    %dma_start3A_406 = tpu.memref_squeeze %dma_start3A_405 : memref<1x128x128xf32, #tpu.memory_space<vmem>> -> memref<128x128xf32, #tpu.memory_space<vmem>>
    %dma_start3A_407 = arith.constant 0 : i32
    %dma_start3A_408 = tpu.memref_slice %arg5[%dma_start3A_401, %dma_start3A_407] : memref<20x128xi32, #tpu.memory_space<vmem>> -> memref<1x128xi32, #tpu.memory_space<vmem>>
    %dma_start3A_409 = tpu.memref_squeeze %dma_start3A_408 : memref<1x128xi32, #tpu.memory_space<vmem>> -> memref<128xi32, #tpu.memory_space<vmem>>
    %dma_start3A_410 = arith.constant 0 : i32
    %dma_start3A_411 = arith.constant 0 : i32
    %dma_start3A_412 = tpu.memref_slice %arg2[%dma_start3A_410, %dma_start3A_411] : memref<4096x128xf32, #tpu.memory_space<hbm>> -> memref<4096x128xf32, #tpu.memory_space<hbm>>
    tpu.enqueue_indirect_dma source(%dma_start3A_412 : memref<4096x128xf32, #tpu.memory_space<hbm>>) target(%dma_start3A_406 : memref<128x128xf32, #tpu.memory_space<vmem>>) offsets(%dma_start3A_409 : memref<128xi32, #tpu.memory_space<vmem>>) semaphore(%arg9 : memref<!tpu.dma_semaphore, #tpu.memory_space<semaphore_mem>>)
    %dma_wait3A_413 = arith.constant 7 : i32
    %dma_wait3A_414 = arith.constant 3 : i32
    %dma_wait3A_415 = arith.constant 0 : i32
    %dma_wait3A_416 = arith.constant 0 : i32
    %dma_wait3A_417 = tpu.memref_slice %arg6[%dma_wait3A_414, %dma_wait3A_415, %dma_wait3A_416] : memref<4x128x128xf32, #tpu.memory_space<vmem>> -> memref<1x128x128xf32, #tpu.memory_space<vmem>>
    %dma_wait3A_418 = tpu.memref_squeeze %dma_wait3A_417 : memref<1x128x128xf32, #tpu.memory_space<vmem>> -> memref<128x128xf32, #tpu.memory_space<vmem>>
    %dma_wait3A_419 = arith.constant 0 : i32
    %dma_wait3A_420 = tpu.memref_slice %arg5[%dma_wait3A_413, %dma_wait3A_419] : memref<20x128xi32, #tpu.memory_space<vmem>> -> memref<1x128xi32, #tpu.memory_space<vmem>>
    %dma_wait3A_421 = tpu.memref_squeeze %dma_wait3A_420 : memref<1x128xi32, #tpu.memory_space<vmem>> -> memref<128xi32, #tpu.memory_space<vmem>>
    %dma_wait3A_422 = arith.constant 0 : i32
    %dma_wait3A_423 = arith.constant 0 : i32
    %dma_wait3A_424 = tpu.memref_slice %arg2[%dma_wait3A_422, %dma_wait3A_423] : memref<4096x128xf32, #tpu.memory_space<hbm>> -> memref<4096x128xf32, #tpu.memory_space<hbm>>
    tpu.wait_indirect_dma semaphore(%arg10 : memref<!tpu.dma_semaphore, #tpu.memory_space<semaphore_mem>>) src(%dma_wait3A_424 : memref<4096x128xf32, #tpu.memory_space<hbm>>) dst(%dma_wait3A_418 : memref<128x128xf32, #tpu.memory_space<vmem>>)
    %add3A_425 = arith.constant 896 : i32
    %add3A_426 = arith.addi %mul3A_2, %add3A_425 : i32
    %dma_start3A_427 = arith.constant 3 : i32
    %dma_start3A_428 = arith.constant 0 : i32
    %dma_start3A_429 = arith.constant 0 : i32
    %dma_start3A_430 = tpu.memref_slice %arg6[%dma_start3A_427, %dma_start3A_428, %dma_start3A_429] : memref<4x128x128xf32, #tpu.memory_space<vmem>> -> memref<1x128x128xf32, #tpu.memory_space<vmem>>
    %dma_start3A_431 = tpu.memref_squeeze %dma_start3A_430 : memref<1x128x128xf32, #tpu.memory_space<vmem>> -> memref<128x128xf32, #tpu.memory_space<vmem>>
    %dma_start3A_432 = arith.constant 0 : i32
    %dma_start3A_433 = tpu.memref_slice %arg4[%add3A_426, %dma_start3A_432] : memref<81920x128xf32, #tpu.memory_space<hbm>> -> memref<128x128xf32, #tpu.memory_space<hbm>>
    %dma_start3A_434 = arith.constant 0 : i32
    %dma_start3A_435 = tpu.memref_slice %arg4[%add3A_426, %dma_start3A_434] : memref<81920x128xf32, #tpu.memory_space<hbm>> -> memref<128x128xf32, #tpu.memory_space<hbm>>
    %dma_start3A_436 = arith.constant 0 : i32
    %dma_start3A_437 = arith.constant 0 : i32
    %dma_start3A_438 = tpu.memref_slice %arg6[%dma_start3A_427, %dma_start3A_436, %dma_start3A_437] : memref<4x128x128xf32, #tpu.memory_space<vmem>> -> memref<1x128x128xf32, #tpu.memory_space<vmem>>
    %dma_start3A_439 = tpu.memref_squeeze %dma_start3A_438 : memref<1x128x128xf32, #tpu.memory_space<vmem>> -> memref<128x128xf32, #tpu.memory_space<vmem>>
    tpu.enqueue_dma source(%dma_start3A_439 : memref<128x128xf32, #tpu.memory_space<vmem>>) target(%dma_start3A_435 : memref<128x128xf32, #tpu.memory_space<hbm>>) target_semaphore(%arg14 : memref<!tpu.dma_semaphore, #tpu.memory_space<semaphore_mem>>)
    %dma_wait3A_440 = arith.constant 3 : i32
    %dma_wait3A_441 = arith.constant 0 : i32
    %dma_wait3A_442 = arith.constant 0 : i32
    %dma_wait3A_443 = tpu.memref_slice %arg6[%dma_wait3A_440, %dma_wait3A_441, %dma_wait3A_442] : memref<4x128x128xf32, #tpu.memory_space<vmem>> -> memref<1x128x128xf32, #tpu.memory_space<vmem>>
    %dma_wait3A_444 = tpu.memref_squeeze %dma_wait3A_443 : memref<1x128x128xf32, #tpu.memory_space<vmem>> -> memref<128x128xf32, #tpu.memory_space<vmem>>
    %dma_wait3A_445 = arith.constant 0 : i32
    %dma_wait3A_446 = tpu.memref_slice %arg4[%add3A_426, %dma_wait3A_445] : memref<81920x128xf32, #tpu.memory_space<hbm>> -> memref<128x128xf32, #tpu.memory_space<hbm>>
    %dma_wait3A_447 = arith.constant 0 : i32
    %dma_wait3A_448 = tpu.memref_slice %arg4[%add3A_426, %dma_wait3A_447] : memref<81920x128xf32, #tpu.memory_space<hbm>> -> memref<128x128xf32, #tpu.memory_space<hbm>>
    %dma_wait3A_449 = arith.constant 0 : i32
    %dma_wait3A_450 = arith.constant 0 : i32
    %dma_wait3A_451 = tpu.memref_slice %arg6[%dma_wait3A_440, %dma_wait3A_449, %dma_wait3A_450] : memref<4x128x128xf32, #tpu.memory_space<vmem>> -> memref<1x128x128xf32, #tpu.memory_space<vmem>>
    %dma_wait3A_452 = tpu.memref_squeeze %dma_wait3A_451 : memref<1x128x128xf32, #tpu.memory_space<vmem>> -> memref<128x128xf32, #tpu.memory_space<vmem>>
    tpu.wait_dma2 semaphore(%arg14 : memref<!tpu.dma_semaphore, #tpu.memory_space<semaphore_mem>>) src(%dma_wait3A_452 : memref<128x128xf32, #tpu.memory_space<vmem>>) dst(%dma_wait3A_448 : memref<128x128xf32, #tpu.memory_space<hbm>>)
    %dma_start3A_453 = arith.constant 11 : i32
    %dma_start3A_454 = arith.constant 3 : i32
    %dma_start3A_455 = arith.constant 0 : i32
    %dma_start3A_456 = arith.constant 0 : i32
    %dma_start3A_457 = tpu.memref_slice %arg6[%dma_start3A_454, %dma_start3A_455, %dma_start3A_456] : memref<4x128x128xf32, #tpu.memory_space<vmem>> -> memref<1x128x128xf32, #tpu.memory_space<vmem>>
    %dma_start3A_458 = tpu.memref_squeeze %dma_start3A_457 : memref<1x128x128xf32, #tpu.memory_space<vmem>> -> memref<128x128xf32, #tpu.memory_space<vmem>>
    %dma_start3A_459 = arith.constant 0 : i32
    %dma_start3A_460 = tpu.memref_slice %arg5[%dma_start3A_453, %dma_start3A_459] : memref<20x128xi32, #tpu.memory_space<vmem>> -> memref<1x128xi32, #tpu.memory_space<vmem>>
    %dma_start3A_461 = tpu.memref_squeeze %dma_start3A_460 : memref<1x128xi32, #tpu.memory_space<vmem>> -> memref<128xi32, #tpu.memory_space<vmem>>
    %dma_start3A_462 = arith.constant 0 : i32
    %dma_start3A_463 = arith.constant 0 : i32
    %dma_start3A_464 = tpu.memref_slice %arg2[%dma_start3A_462, %dma_start3A_463] : memref<4096x128xf32, #tpu.memory_space<hbm>> -> memref<4096x128xf32, #tpu.memory_space<hbm>>
    tpu.enqueue_indirect_dma source(%dma_start3A_464 : memref<4096x128xf32, #tpu.memory_space<hbm>>) target(%dma_start3A_458 : memref<128x128xf32, #tpu.memory_space<vmem>>) offsets(%dma_start3A_461 : memref<128xi32, #tpu.memory_space<vmem>>) semaphore(%arg10 : memref<!tpu.dma_semaphore, #tpu.memory_space<semaphore_mem>>)
    %dma_wait3A_465 = arith.constant 8 : i32
    %dma_wait3A_466 = arith.constant 0 : i32
    %dma_wait3A_467 = arith.constant 0 : i32
    %dma_wait3A_468 = arith.constant 0 : i32
    %dma_wait3A_469 = tpu.memref_slice %arg6[%dma_wait3A_466, %dma_wait3A_467, %dma_wait3A_468] : memref<4x128x128xf32, #tpu.memory_space<vmem>> -> memref<1x128x128xf32, #tpu.memory_space<vmem>>
    %dma_wait3A_470 = tpu.memref_squeeze %dma_wait3A_469 : memref<1x128x128xf32, #tpu.memory_space<vmem>> -> memref<128x128xf32, #tpu.memory_space<vmem>>
    %dma_wait3A_471 = arith.constant 0 : i32
    %dma_wait3A_472 = tpu.memref_slice %arg5[%dma_wait3A_465, %dma_wait3A_471] : memref<20x128xi32, #tpu.memory_space<vmem>> -> memref<1x128xi32, #tpu.memory_space<vmem>>
    %dma_wait3A_473 = tpu.memref_squeeze %dma_wait3A_472 : memref<1x128xi32, #tpu.memory_space<vmem>> -> memref<128xi32, #tpu.memory_space<vmem>>
    %dma_wait3A_474 = arith.constant 0 : i32
    %dma_wait3A_475 = arith.constant 0 : i32
    %dma_wait3A_476 = tpu.memref_slice %arg2[%dma_wait3A_474, %dma_wait3A_475] : memref<4096x128xf32, #tpu.memory_space<hbm>> -> memref<4096x128xf32, #tpu.memory_space<hbm>>
    tpu.wait_indirect_dma semaphore(%arg7 : memref<!tpu.dma_semaphore, #tpu.memory_space<semaphore_mem>>) src(%dma_wait3A_476 : memref<4096x128xf32, #tpu.memory_space<hbm>>) dst(%dma_wait3A_470 : memref<128x128xf32, #tpu.memory_space<vmem>>)
    %add3A_477 = arith.constant 1024 : i32
    %add3A_478 = arith.addi %mul3A_2, %add3A_477 : i32
    %dma_start3A_479 = arith.constant 0 : i32
    %dma_start3A_480 = arith.constant 0 : i32
    %dma_start3A_481 = arith.constant 0 : i32
    %dma_start3A_482 = tpu.memref_slice %arg6[%dma_start3A_479, %dma_start3A_480, %dma_start3A_481] : memref<4x128x128xf32, #tpu.memory_space<vmem>> -> memref<1x128x128xf32, #tpu.memory_space<vmem>>
    %dma_start3A_483 = tpu.memref_squeeze %dma_start3A_482 : memref<1x128x128xf32, #tpu.memory_space<vmem>> -> memref<128x128xf32, #tpu.memory_space<vmem>>
    %dma_start3A_484 = arith.constant 0 : i32
    %dma_start3A_485 = tpu.memref_slice %arg4[%add3A_478, %dma_start3A_484] : memref<81920x128xf32, #tpu.memory_space<hbm>> -> memref<128x128xf32, #tpu.memory_space<hbm>>
    %dma_start3A_486 = arith.constant 0 : i32
    %dma_start3A_487 = tpu.memref_slice %arg4[%add3A_478, %dma_start3A_486] : memref<81920x128xf32, #tpu.memory_space<hbm>> -> memref<128x128xf32, #tpu.memory_space<hbm>>
    %dma_start3A_488 = arith.constant 0 : i32
    %dma_start3A_489 = arith.constant 0 : i32
    %dma_start3A_490 = tpu.memref_slice %arg6[%dma_start3A_479, %dma_start3A_488, %dma_start3A_489] : memref<4x128x128xf32, #tpu.memory_space<vmem>> -> memref<1x128x128xf32, #tpu.memory_space<vmem>>
    %dma_start3A_491 = tpu.memref_squeeze %dma_start3A_490 : memref<1x128x128xf32, #tpu.memory_space<vmem>> -> memref<128x128xf32, #tpu.memory_space<vmem>>
    tpu.enqueue_dma source(%dma_start3A_491 : memref<128x128xf32, #tpu.memory_space<vmem>>) target(%dma_start3A_487 : memref<128x128xf32, #tpu.memory_space<hbm>>) target_semaphore(%arg11 : memref<!tpu.dma_semaphore, #tpu.memory_space<semaphore_mem>>)
    %dma_wait3A_492 = arith.constant 0 : i32
    %dma_wait3A_493 = arith.constant 0 : i32
    %dma_wait3A_494 = arith.constant 0 : i32
    %dma_wait3A_495 = tpu.memref_slice %arg6[%dma_wait3A_492, %dma_wait3A_493, %dma_wait3A_494] : memref<4x128x128xf32, #tpu.memory_space<vmem>> -> memref<1x128x128xf32, #tpu.memory_space<vmem>>
    %dma_wait3A_496 = tpu.memref_squeeze %dma_wait3A_495 : memref<1x128x128xf32, #tpu.memory_space<vmem>> -> memref<128x128xf32, #tpu.memory_space<vmem>>
    %dma_wait3A_497 = arith.constant 0 : i32
    %dma_wait3A_498 = tpu.memref_slice %arg4[%add3A_478, %dma_wait3A_497] : memref<81920x128xf32, #tpu.memory_space<hbm>> -> memref<128x128xf32, #tpu.memory_space<hbm>>
    %dma_wait3A_499 = arith.constant 0 : i32
    %dma_wait3A_500 = tpu.memref_slice %arg4[%add3A_478, %dma_wait3A_499] : memref<81920x128xf32, #tpu.memory_space<hbm>> -> memref<128x128xf32, #tpu.memory_space<hbm>>
    %dma_wait3A_501 = arith.constant 0 : i32
    %dma_wait3A_502 = arith.constant 0 : i32
    %dma_wait3A_503 = tpu.memref_slice %arg6[%dma_wait3A_492, %dma_wait3A_501, %dma_wait3A_502] : memref<4x128x128xf32, #tpu.memory_space<vmem>> -> memref<1x128x128xf32, #tpu.memory_space<vmem>>
    %dma_wait3A_504 = tpu.memref_squeeze %dma_wait3A_503 : memref<1x128x128xf32, #tpu.memory_space<vmem>> -> memref<128x128xf32, #tpu.memory_space<vmem>>
    tpu.wait_dma2 semaphore(%arg11 : memref<!tpu.dma_semaphore, #tpu.memory_space<semaphore_mem>>) src(%dma_wait3A_504 : memref<128x128xf32, #tpu.memory_space<vmem>>) dst(%dma_wait3A_500 : memref<128x128xf32, #tpu.memory_space<hbm>>)
    %dma_start3A_505 = arith.constant 12 : i32
    %dma_start3A_506 = arith.constant 0 : i32
    %dma_start3A_507 = arith.constant 0 : i32
    %dma_start3A_508 = arith.constant 0 : i32
    %dma_start3A_509 = tpu.memref_slice %arg6[%dma_start3A_506, %dma_start3A_507, %dma_start3A_508] : memref<4x128x128xf32, #tpu.memory_space<vmem>> -> memref<1x128x128xf32, #tpu.memory_space<vmem>>
    %dma_start3A_510 = tpu.memref_squeeze %dma_start3A_509 : memref<1x128x128xf32, #tpu.memory_space<vmem>> -> memref<128x128xf32, #tpu.memory_space<vmem>>
    %dma_start3A_511 = arith.constant 0 : i32
    %dma_start3A_512 = tpu.memref_slice %arg5[%dma_start3A_505, %dma_start3A_511] : memref<20x128xi32, #tpu.memory_space<vmem>> -> memref<1x128xi32, #tpu.memory_space<vmem>>
    %dma_start3A_513 = tpu.memref_squeeze %dma_start3A_512 : memref<1x128xi32, #tpu.memory_space<vmem>> -> memref<128xi32, #tpu.memory_space<vmem>>
    %dma_start3A_514 = arith.constant 0 : i32
    %dma_start3A_515 = arith.constant 0 : i32
    %dma_start3A_516 = tpu.memref_slice %arg2[%dma_start3A_514, %dma_start3A_515] : memref<4096x128xf32, #tpu.memory_space<hbm>> -> memref<4096x128xf32, #tpu.memory_space<hbm>>
    tpu.enqueue_indirect_dma source(%dma_start3A_516 : memref<4096x128xf32, #tpu.memory_space<hbm>>) target(%dma_start3A_510 : memref<128x128xf32, #tpu.memory_space<vmem>>) offsets(%dma_start3A_513 : memref<128xi32, #tpu.memory_space<vmem>>) semaphore(%arg7 : memref<!tpu.dma_semaphore, #tpu.memory_space<semaphore_mem>>)
    %dma_wait3A_517 = arith.constant 9 : i32
    %dma_wait3A_518 = arith.constant 1 : i32
    %dma_wait3A_519 = arith.constant 0 : i32
    %dma_wait3A_520 = arith.constant 0 : i32
    %dma_wait3A_521 = tpu.memref_slice %arg6[%dma_wait3A_518, %dma_wait3A_519, %dma_wait3A_520] : memref<4x128x128xf32, #tpu.memory_space<vmem>> -> memref<1x128x128xf32, #tpu.memory_space<vmem>>
    %dma_wait3A_522 = tpu.memref_squeeze %dma_wait3A_521 : memref<1x128x128xf32, #tpu.memory_space<vmem>> -> memref<128x128xf32, #tpu.memory_space<vmem>>
    %dma_wait3A_523 = arith.constant 0 : i32
    %dma_wait3A_524 = tpu.memref_slice %arg5[%dma_wait3A_517, %dma_wait3A_523] : memref<20x128xi32, #tpu.memory_space<vmem>> -> memref<1x128xi32, #tpu.memory_space<vmem>>
    %dma_wait3A_525 = tpu.memref_squeeze %dma_wait3A_524 : memref<1x128xi32, #tpu.memory_space<vmem>> -> memref<128xi32, #tpu.memory_space<vmem>>
    %dma_wait3A_526 = arith.constant 0 : i32
    %dma_wait3A_527 = arith.constant 0 : i32
    %dma_wait3A_528 = tpu.memref_slice %arg2[%dma_wait3A_526, %dma_wait3A_527] : memref<4096x128xf32, #tpu.memory_space<hbm>> -> memref<4096x128xf32, #tpu.memory_space<hbm>>
    tpu.wait_indirect_dma semaphore(%arg8 : memref<!tpu.dma_semaphore, #tpu.memory_space<semaphore_mem>>) src(%dma_wait3A_528 : memref<4096x128xf32, #tpu.memory_space<hbm>>) dst(%dma_wait3A_522 : memref<128x128xf32, #tpu.memory_space<vmem>>)
    %add3A_529 = arith.constant 1152 : i32
    %add3A_530 = arith.addi %mul3A_2, %add3A_529 : i32
    %dma_start3A_531 = arith.constant 1 : i32
    %dma_start3A_532 = arith.constant 0 : i32
    %dma_start3A_533 = arith.constant 0 : i32
    %dma_start3A_534 = tpu.memref_slice %arg6[%dma_start3A_531, %dma_start3A_532, %dma_start3A_533] : memref<4x128x128xf32, #tpu.memory_space<vmem>> -> memref<1x128x128xf32, #tpu.memory_space<vmem>>
    %dma_start3A_535 = tpu.memref_squeeze %dma_start3A_534 : memref<1x128x128xf32, #tpu.memory_space<vmem>> -> memref<128x128xf32, #tpu.memory_space<vmem>>
    %dma_start3A_536 = arith.constant 0 : i32
    %dma_start3A_537 = tpu.memref_slice %arg4[%add3A_530, %dma_start3A_536] : memref<81920x128xf32, #tpu.memory_space<hbm>> -> memref<128x128xf32, #tpu.memory_space<hbm>>
    %dma_start3A_538 = arith.constant 0 : i32
    %dma_start3A_539 = tpu.memref_slice %arg4[%add3A_530, %dma_start3A_538] : memref<81920x128xf32, #tpu.memory_space<hbm>> -> memref<128x128xf32, #tpu.memory_space<hbm>>
    %dma_start3A_540 = arith.constant 0 : i32
    %dma_start3A_541 = arith.constant 0 : i32
    %dma_start3A_542 = tpu.memref_slice %arg6[%dma_start3A_531, %dma_start3A_540, %dma_start3A_541] : memref<4x128x128xf32, #tpu.memory_space<vmem>> -> memref<1x128x128xf32, #tpu.memory_space<vmem>>
    %dma_start3A_543 = tpu.memref_squeeze %dma_start3A_542 : memref<1x128x128xf32, #tpu.memory_space<vmem>> -> memref<128x128xf32, #tpu.memory_space<vmem>>
    tpu.enqueue_dma source(%dma_start3A_543 : memref<128x128xf32, #tpu.memory_space<vmem>>) target(%dma_start3A_539 : memref<128x128xf32, #tpu.memory_space<hbm>>) target_semaphore(%arg12 : memref<!tpu.dma_semaphore, #tpu.memory_space<semaphore_mem>>)
    %dma_wait3A_544 = arith.constant 1 : i32
    %dma_wait3A_545 = arith.constant 0 : i32
    %dma_wait3A_546 = arith.constant 0 : i32
    %dma_wait3A_547 = tpu.memref_slice %arg6[%dma_wait3A_544, %dma_wait3A_545, %dma_wait3A_546] : memref<4x128x128xf32, #tpu.memory_space<vmem>> -> memref<1x128x128xf32, #tpu.memory_space<vmem>>
    %dma_wait3A_548 = tpu.memref_squeeze %dma_wait3A_547 : memref<1x128x128xf32, #tpu.memory_space<vmem>> -> memref<128x128xf32, #tpu.memory_space<vmem>>
    %dma_wait3A_549 = arith.constant 0 : i32
    %dma_wait3A_550 = tpu.memref_slice %arg4[%add3A_530, %dma_wait3A_549] : memref<81920x128xf32, #tpu.memory_space<hbm>> -> memref<128x128xf32, #tpu.memory_space<hbm>>
    %dma_wait3A_551 = arith.constant 0 : i32
    %dma_wait3A_552 = tpu.memref_slice %arg4[%add3A_530, %dma_wait3A_551] : memref<81920x128xf32, #tpu.memory_space<hbm>> -> memref<128x128xf32, #tpu.memory_space<hbm>>
    %dma_wait3A_553 = arith.constant 0 : i32
    %dma_wait3A_554 = arith.constant 0 : i32
    %dma_wait3A_555 = tpu.memref_slice %arg6[%dma_wait3A_544, %dma_wait3A_553, %dma_wait3A_554] : memref<4x128x128xf32, #tpu.memory_space<vmem>> -> memref<1x128x128xf32, #tpu.memory_space<vmem>>
    %dma_wait3A_556 = tpu.memref_squeeze %dma_wait3A_555 : memref<1x128x128xf32, #tpu.memory_space<vmem>> -> memref<128x128xf32, #tpu.memory_space<vmem>>
    tpu.wait_dma2 semaphore(%arg12 : memref<!tpu.dma_semaphore, #tpu.memory_space<semaphore_mem>>) src(%dma_wait3A_556 : memref<128x128xf32, #tpu.memory_space<vmem>>) dst(%dma_wait3A_552 : memref<128x128xf32, #tpu.memory_space<hbm>>)
    %dma_start3A_557 = arith.constant 13 : i32
    %dma_start3A_558 = arith.constant 1 : i32
    %dma_start3A_559 = arith.constant 0 : i32
    %dma_start3A_560 = arith.constant 0 : i32
    %dma_start3A_561 = tpu.memref_slice %arg6[%dma_start3A_558, %dma_start3A_559, %dma_start3A_560] : memref<4x128x128xf32, #tpu.memory_space<vmem>> -> memref<1x128x128xf32, #tpu.memory_space<vmem>>
    %dma_start3A_562 = tpu.memref_squeeze %dma_start3A_561 : memref<1x128x128xf32, #tpu.memory_space<vmem>> -> memref<128x128xf32, #tpu.memory_space<vmem>>
    %dma_start3A_563 = arith.constant 0 : i32
    %dma_start3A_564 = tpu.memref_slice %arg5[%dma_start3A_557, %dma_start3A_563] : memref<20x128xi32, #tpu.memory_space<vmem>> -> memref<1x128xi32, #tpu.memory_space<vmem>>
    %dma_start3A_565 = tpu.memref_squeeze %dma_start3A_564 : memref<1x128xi32, #tpu.memory_space<vmem>> -> memref<128xi32, #tpu.memory_space<vmem>>
    %dma_start3A_566 = arith.constant 0 : i32
    %dma_start3A_567 = arith.constant 0 : i32
    %dma_start3A_568 = tpu.memref_slice %arg2[%dma_start3A_566, %dma_start3A_567] : memref<4096x128xf32, #tpu.memory_space<hbm>> -> memref<4096x128xf32, #tpu.memory_space<hbm>>
    tpu.enqueue_indirect_dma source(%dma_start3A_568 : memref<4096x128xf32, #tpu.memory_space<hbm>>) target(%dma_start3A_562 : memref<128x128xf32, #tpu.memory_space<vmem>>) offsets(%dma_start3A_565 : memref<128xi32, #tpu.memory_space<vmem>>) semaphore(%arg8 : memref<!tpu.dma_semaphore, #tpu.memory_space<semaphore_mem>>)
    %dma_wait3A_569 = arith.constant 10 : i32
    %dma_wait3A_570 = arith.constant 2 : i32
    %dma_wait3A_571 = arith.constant 0 : i32
    %dma_wait3A_572 = arith.constant 0 : i32
    %dma_wait3A_573 = tpu.memref_slice %arg6[%dma_wait3A_570, %dma_wait3A_571, %dma_wait3A_572] : memref<4x128x128xf32, #tpu.memory_space<vmem>> -> memref<1x128x128xf32, #tpu.memory_space<vmem>>
    %dma_wait3A_574 = tpu.memref_squeeze %dma_wait3A_573 : memref<1x128x128xf32, #tpu.memory_space<vmem>> -> memref<128x128xf32, #tpu.memory_space<vmem>>
    %dma_wait3A_575 = arith.constant 0 : i32
    %dma_wait3A_576 = tpu.memref_slice %arg5[%dma_wait3A_569, %dma_wait3A_575] : memref<20x128xi32, #tpu.memory_space<vmem>> -> memref<1x128xi32, #tpu.memory_space<vmem>>
    %dma_wait3A_577 = tpu.memref_squeeze %dma_wait3A_576 : memref<1x128xi32, #tpu.memory_space<vmem>> -> memref<128xi32, #tpu.memory_space<vmem>>
    %dma_wait3A_578 = arith.constant 0 : i32
    %dma_wait3A_579 = arith.constant 0 : i32
    %dma_wait3A_580 = tpu.memref_slice %arg2[%dma_wait3A_578, %dma_wait3A_579] : memref<4096x128xf32, #tpu.memory_space<hbm>> -> memref<4096x128xf32, #tpu.memory_space<hbm>>
    tpu.wait_indirect_dma semaphore(%arg9 : memref<!tpu.dma_semaphore, #tpu.memory_space<semaphore_mem>>) src(%dma_wait3A_580 : memref<4096x128xf32, #tpu.memory_space<hbm>>) dst(%dma_wait3A_574 : memref<128x128xf32, #tpu.memory_space<vmem>>)
    %add3A_581 = arith.constant 1280 : i32
    %add3A_582 = arith.addi %mul3A_2, %add3A_581 : i32
    %dma_start3A_583 = arith.constant 2 : i32
    %dma_start3A_584 = arith.constant 0 : i32
    %dma_start3A_585 = arith.constant 0 : i32
    %dma_start3A_586 = tpu.memref_slice %arg6[%dma_start3A_583, %dma_start3A_584, %dma_start3A_585] : memref<4x128x128xf32, #tpu.memory_space<vmem>> -> memref<1x128x128xf32, #tpu.memory_space<vmem>>
    %dma_start3A_587 = tpu.memref_squeeze %dma_start3A_586 : memref<1x128x128xf32, #tpu.memory_space<vmem>> -> memref<128x128xf32, #tpu.memory_space<vmem>>
    %dma_start3A_588 = arith.constant 0 : i32
    %dma_start3A_589 = tpu.memref_slice %arg4[%add3A_582, %dma_start3A_588] : memref<81920x128xf32, #tpu.memory_space<hbm>> -> memref<128x128xf32, #tpu.memory_space<hbm>>
    %dma_start3A_590 = arith.constant 0 : i32
    %dma_start3A_591 = tpu.memref_slice %arg4[%add3A_582, %dma_start3A_590] : memref<81920x128xf32, #tpu.memory_space<hbm>> -> memref<128x128xf32, #tpu.memory_space<hbm>>
    %dma_start3A_592 = arith.constant 0 : i32
    %dma_start3A_593 = arith.constant 0 : i32
    %dma_start3A_594 = tpu.memref_slice %arg6[%dma_start3A_583, %dma_start3A_592, %dma_start3A_593] : memref<4x128x128xf32, #tpu.memory_space<vmem>> -> memref<1x128x128xf32, #tpu.memory_space<vmem>>
    %dma_start3A_595 = tpu.memref_squeeze %dma_start3A_594 : memref<1x128x128xf32, #tpu.memory_space<vmem>> -> memref<128x128xf32, #tpu.memory_space<vmem>>
    tpu.enqueue_dma source(%dma_start3A_595 : memref<128x128xf32, #tpu.memory_space<vmem>>) target(%dma_start3A_591 : memref<128x128xf32, #tpu.memory_space<hbm>>) target_semaphore(%arg13 : memref<!tpu.dma_semaphore, #tpu.memory_space<semaphore_mem>>)
    %dma_wait3A_596 = arith.constant 2 : i32
    %dma_wait3A_597 = arith.constant 0 : i32
    %dma_wait3A_598 = arith.constant 0 : i32
    %dma_wait3A_599 = tpu.memref_slice %arg6[%dma_wait3A_596, %dma_wait3A_597, %dma_wait3A_598] : memref<4x128x128xf32, #tpu.memory_space<vmem>> -> memref<1x128x128xf32, #tpu.memory_space<vmem>>
    %dma_wait3A_600 = tpu.memref_squeeze %dma_wait3A_599 : memref<1x128x128xf32, #tpu.memory_space<vmem>> -> memref<128x128xf32, #tpu.memory_space<vmem>>
    %dma_wait3A_601 = arith.constant 0 : i32
    %dma_wait3A_602 = tpu.memref_slice %arg4[%add3A_582, %dma_wait3A_601] : memref<81920x128xf32, #tpu.memory_space<hbm>> -> memref<128x128xf32, #tpu.memory_space<hbm>>
    %dma_wait3A_603 = arith.constant 0 : i32
    %dma_wait3A_604 = tpu.memref_slice %arg4[%add3A_582, %dma_wait3A_603] : memref<81920x128xf32, #tpu.memory_space<hbm>> -> memref<128x128xf32, #tpu.memory_space<hbm>>
    %dma_wait3A_605 = arith.constant 0 : i32
    %dma_wait3A_606 = arith.constant 0 : i32
    %dma_wait3A_607 = tpu.memref_slice %arg6[%dma_wait3A_596, %dma_wait3A_605, %dma_wait3A_606] : memref<4x128x128xf32, #tpu.memory_space<vmem>> -> memref<1x128x128xf32, #tpu.memory_space<vmem>>
    %dma_wait3A_608 = tpu.memref_squeeze %dma_wait3A_607 : memref<1x128x128xf32, #tpu.memory_space<vmem>> -> memref<128x128xf32, #tpu.memory_space<vmem>>
    tpu.wait_dma2 semaphore(%arg13 : memref<!tpu.dma_semaphore, #tpu.memory_space<semaphore_mem>>) src(%dma_wait3A_608 : memref<128x128xf32, #tpu.memory_space<vmem>>) dst(%dma_wait3A_604 : memref<128x128xf32, #tpu.memory_space<hbm>>)
    %dma_start3A_609 = arith.constant 14 : i32
    %dma_start3A_610 = arith.constant 2 : i32
    %dma_start3A_611 = arith.constant 0 : i32
    %dma_start3A_612 = arith.constant 0 : i32
    %dma_start3A_613 = tpu.memref_slice %arg6[%dma_start3A_610, %dma_start3A_611, %dma_start3A_612] : memref<4x128x128xf32, #tpu.memory_space<vmem>> -> memref<1x128x128xf32, #tpu.memory_space<vmem>>
    %dma_start3A_614 = tpu.memref_squeeze %dma_start3A_613 : memref<1x128x128xf32, #tpu.memory_space<vmem>> -> memref<128x128xf32, #tpu.memory_space<vmem>>
    %dma_start3A_615 = arith.constant 0 : i32
    %dma_start3A_616 = tpu.memref_slice %arg5[%dma_start3A_609, %dma_start3A_615] : memref<20x128xi32, #tpu.memory_space<vmem>> -> memref<1x128xi32, #tpu.memory_space<vmem>>
    %dma_start3A_617 = tpu.memref_squeeze %dma_start3A_616 : memref<1x128xi32, #tpu.memory_space<vmem>> -> memref<128xi32, #tpu.memory_space<vmem>>
    %dma_start3A_618 = arith.constant 0 : i32
    %dma_start3A_619 = arith.constant 0 : i32
    %dma_start3A_620 = tpu.memref_slice %arg2[%dma_start3A_618, %dma_start3A_619] : memref<4096x128xf32, #tpu.memory_space<hbm>> -> memref<4096x128xf32, #tpu.memory_space<hbm>>
    tpu.enqueue_indirect_dma source(%dma_start3A_620 : memref<4096x128xf32, #tpu.memory_space<hbm>>) target(%dma_start3A_614 : memref<128x128xf32, #tpu.memory_space<vmem>>) offsets(%dma_start3A_617 : memref<128xi32, #tpu.memory_space<vmem>>) semaphore(%arg9 : memref<!tpu.dma_semaphore, #tpu.memory_space<semaphore_mem>>)
    %dma_wait3A_621 = arith.constant 11 : i32
    %dma_wait3A_622 = arith.constant 3 : i32
    %dma_wait3A_623 = arith.constant 0 : i32
    %dma_wait3A_624 = arith.constant 0 : i32
    %dma_wait3A_625 = tpu.memref_slice %arg6[%dma_wait3A_622, %dma_wait3A_623, %dma_wait3A_624] : memref<4x128x128xf32, #tpu.memory_space<vmem>> -> memref<1x128x128xf32, #tpu.memory_space<vmem>>
    %dma_wait3A_626 = tpu.memref_squeeze %dma_wait3A_625 : memref<1x128x128xf32, #tpu.memory_space<vmem>> -> memref<128x128xf32, #tpu.memory_space<vmem>>
    %dma_wait3A_627 = arith.constant 0 : i32
    %dma_wait3A_628 = tpu.memref_slice %arg5[%dma_wait3A_621, %dma_wait3A_627] : memref<20x128xi32, #tpu.memory_space<vmem>> -> memref<1x128xi32, #tpu.memory_space<vmem>>
    %dma_wait3A_629 = tpu.memref_squeeze %dma_wait3A_628 : memref<1x128xi32, #tpu.memory_space<vmem>> -> memref<128xi32, #tpu.memory_space<vmem>>
    %dma_wait3A_630 = arith.constant 0 : i32
    %dma_wait3A_631 = arith.constant 0 : i32
    %dma_wait3A_632 = tpu.memref_slice %arg2[%dma_wait3A_630, %dma_wait3A_631] : memref<4096x128xf32, #tpu.memory_space<hbm>> -> memref<4096x128xf32, #tpu.memory_space<hbm>>
    tpu.wait_indirect_dma semaphore(%arg10 : memref<!tpu.dma_semaphore, #tpu.memory_space<semaphore_mem>>) src(%dma_wait3A_632 : memref<4096x128xf32, #tpu.memory_space<hbm>>) dst(%dma_wait3A_626 : memref<128x128xf32, #tpu.memory_space<vmem>>)
    %add3A_633 = arith.constant 1408 : i32
    %add3A_634 = arith.addi %mul3A_2, %add3A_633 : i32
    %dma_start3A_635 = arith.constant 3 : i32
    %dma_start3A_636 = arith.constant 0 : i32
    %dma_start3A_637 = arith.constant 0 : i32
    %dma_start3A_638 = tpu.memref_slice %arg6[%dma_start3A_635, %dma_start3A_636, %dma_start3A_637] : memref<4x128x128xf32, #tpu.memory_space<vmem>> -> memref<1x128x128xf32, #tpu.memory_space<vmem>>
    %dma_start3A_639 = tpu.memref_squeeze %dma_start3A_638 : memref<1x128x128xf32, #tpu.memory_space<vmem>> -> memref<128x128xf32, #tpu.memory_space<vmem>>
    %dma_start3A_640 = arith.constant 0 : i32
    %dma_start3A_641 = tpu.memref_slice %arg4[%add3A_634, %dma_start3A_640] : memref<81920x128xf32, #tpu.memory_space<hbm>> -> memref<128x128xf32, #tpu.memory_space<hbm>>
    %dma_start3A_642 = arith.constant 0 : i32
    %dma_start3A_643 = tpu.memref_slice %arg4[%add3A_634, %dma_start3A_642] : memref<81920x128xf32, #tpu.memory_space<hbm>> -> memref<128x128xf32, #tpu.memory_space<hbm>>
    %dma_start3A_644 = arith.constant 0 : i32
    %dma_start3A_645 = arith.constant 0 : i32
    %dma_start3A_646 = tpu.memref_slice %arg6[%dma_start3A_635, %dma_start3A_644, %dma_start3A_645] : memref<4x128x128xf32, #tpu.memory_space<vmem>> -> memref<1x128x128xf32, #tpu.memory_space<vmem>>
    %dma_start3A_647 = tpu.memref_squeeze %dma_start3A_646 : memref<1x128x128xf32, #tpu.memory_space<vmem>> -> memref<128x128xf32, #tpu.memory_space<vmem>>
    tpu.enqueue_dma source(%dma_start3A_647 : memref<128x128xf32, #tpu.memory_space<vmem>>) target(%dma_start3A_643 : memref<128x128xf32, #tpu.memory_space<hbm>>) target_semaphore(%arg14 : memref<!tpu.dma_semaphore, #tpu.memory_space<semaphore_mem>>)
    %dma_wait3A_648 = arith.constant 3 : i32
    %dma_wait3A_649 = arith.constant 0 : i32
    %dma_wait3A_650 = arith.constant 0 : i32
    %dma_wait3A_651 = tpu.memref_slice %arg6[%dma_wait3A_648, %dma_wait3A_649, %dma_wait3A_650] : memref<4x128x128xf32, #tpu.memory_space<vmem>> -> memref<1x128x128xf32, #tpu.memory_space<vmem>>
    %dma_wait3A_652 = tpu.memref_squeeze %dma_wait3A_651 : memref<1x128x128xf32, #tpu.memory_space<vmem>> -> memref<128x128xf32, #tpu.memory_space<vmem>>
    %dma_wait3A_653 = arith.constant 0 : i32
    %dma_wait3A_654 = tpu.memref_slice %arg4[%add3A_634, %dma_wait3A_653] : memref<81920x128xf32, #tpu.memory_space<hbm>> -> memref<128x128xf32, #tpu.memory_space<hbm>>
    %dma_wait3A_655 = arith.constant 0 : i32
    %dma_wait3A_656 = tpu.memref_slice %arg4[%add3A_634, %dma_wait3A_655] : memref<81920x128xf32, #tpu.memory_space<hbm>> -> memref<128x128xf32, #tpu.memory_space<hbm>>
    %dma_wait3A_657 = arith.constant 0 : i32
    %dma_wait3A_658 = arith.constant 0 : i32
    %dma_wait3A_659 = tpu.memref_slice %arg6[%dma_wait3A_648, %dma_wait3A_657, %dma_wait3A_658] : memref<4x128x128xf32, #tpu.memory_space<vmem>> -> memref<1x128x128xf32, #tpu.memory_space<vmem>>
    %dma_wait3A_660 = tpu.memref_squeeze %dma_wait3A_659 : memref<1x128x128xf32, #tpu.memory_space<vmem>> -> memref<128x128xf32, #tpu.memory_space<vmem>>
    tpu.wait_dma2 semaphore(%arg14 : memref<!tpu.dma_semaphore, #tpu.memory_space<semaphore_mem>>) src(%dma_wait3A_660 : memref<128x128xf32, #tpu.memory_space<vmem>>) dst(%dma_wait3A_656 : memref<128x128xf32, #tpu.memory_space<hbm>>)
    %dma_start3A_661 = arith.constant 15 : i32
    %dma_start3A_662 = arith.constant 3 : i32
    %dma_start3A_663 = arith.constant 0 : i32
    %dma_start3A_664 = arith.constant 0 : i32
    %dma_start3A_665 = tpu.memref_slice %arg6[%dma_start3A_662, %dma_start3A_663, %dma_start3A_664] : memref<4x128x128xf32, #tpu.memory_space<vmem>> -> memref<1x128x128xf32, #tpu.memory_space<vmem>>
    %dma_start3A_666 = tpu.memref_squeeze %dma_start3A_665 : memref<1x128x128xf32, #tpu.memory_space<vmem>> -> memref<128x128xf32, #tpu.memory_space<vmem>>
    %dma_start3A_667 = arith.constant 0 : i32
    %dma_start3A_668 = tpu.memref_slice %arg5[%dma_start3A_661, %dma_start3A_667] : memref<20x128xi32, #tpu.memory_space<vmem>> -> memref<1x128xi32, #tpu.memory_space<vmem>>
    %dma_start3A_669 = tpu.memref_squeeze %dma_start3A_668 : memref<1x128xi32, #tpu.memory_space<vmem>> -> memref<128xi32, #tpu.memory_space<vmem>>
    %dma_start3A_670 = arith.constant 0 : i32
    %dma_start3A_671 = arith.constant 0 : i32
    %dma_start3A_672 = tpu.memref_slice %arg2[%dma_start3A_670, %dma_start3A_671] : memref<4096x128xf32, #tpu.memory_space<hbm>> -> memref<4096x128xf32, #tpu.memory_space<hbm>>
    tpu.enqueue_indirect_dma source(%dma_start3A_672 : memref<4096x128xf32, #tpu.memory_space<hbm>>) target(%dma_start3A_666 : memref<128x128xf32, #tpu.memory_space<vmem>>) offsets(%dma_start3A_669 : memref<128xi32, #tpu.memory_space<vmem>>) semaphore(%arg10 : memref<!tpu.dma_semaphore, #tpu.memory_space<semaphore_mem>>)
    %dma_wait3A_673 = arith.constant 12 : i32
    %dma_wait3A_674 = arith.constant 0 : i32
    %dma_wait3A_675 = arith.constant 0 : i32
    %dma_wait3A_676 = arith.constant 0 : i32
    %dma_wait3A_677 = tpu.memref_slice %arg6[%dma_wait3A_674, %dma_wait3A_675, %dma_wait3A_676] : memref<4x128x128xf32, #tpu.memory_space<vmem>> -> memref<1x128x128xf32, #tpu.memory_space<vmem>>
    %dma_wait3A_678 = tpu.memref_squeeze %dma_wait3A_677 : memref<1x128x128xf32, #tpu.memory_space<vmem>> -> memref<128x128xf32, #tpu.memory_space<vmem>>
    %dma_wait3A_679 = arith.constant 0 : i32
    %dma_wait3A_680 = tpu.memref_slice %arg5[%dma_wait3A_673, %dma_wait3A_679] : memref<20x128xi32, #tpu.memory_space<vmem>> -> memref<1x128xi32, #tpu.memory_space<vmem>>
    %dma_wait3A_681 = tpu.memref_squeeze %dma_wait3A_680 : memref<1x128xi32, #tpu.memory_space<vmem>> -> memref<128xi32, #tpu.memory_space<vmem>>
    %dma_wait3A_682 = arith.constant 0 : i32
    %dma_wait3A_683 = arith.constant 0 : i32
    %dma_wait3A_684 = tpu.memref_slice %arg2[%dma_wait3A_682, %dma_wait3A_683] : memref<4096x128xf32, #tpu.memory_space<hbm>> -> memref<4096x128xf32, #tpu.memory_space<hbm>>
    tpu.wait_indirect_dma semaphore(%arg7 : memref<!tpu.dma_semaphore, #tpu.memory_space<semaphore_mem>>) src(%dma_wait3A_684 : memref<4096x128xf32, #tpu.memory_space<hbm>>) dst(%dma_wait3A_678 : memref<128x128xf32, #tpu.memory_space<vmem>>)
    %add3A_685 = arith.constant 1536 : i32
    %add3A_686 = arith.addi %mul3A_2, %add3A_685 : i32
    %dma_start3A_687 = arith.constant 0 : i32
    %dma_start3A_688 = arith.constant 0 : i32
    %dma_start3A_689 = arith.constant 0 : i32
    %dma_start3A_690 = tpu.memref_slice %arg6[%dma_start3A_687, %dma_start3A_688, %dma_start3A_689] : memref<4x128x128xf32, #tpu.memory_space<vmem>> -> memref<1x128x128xf32, #tpu.memory_space<vmem>>
    %dma_start3A_691 = tpu.memref_squeeze %dma_start3A_690 : memref<1x128x128xf32, #tpu.memory_space<vmem>> -> memref<128x128xf32, #tpu.memory_space<vmem>>
    %dma_start3A_692 = arith.constant 0 : i32
    %dma_start3A_693 = tpu.memref_slice %arg4[%add3A_686, %dma_start3A_692] : memref<81920x128xf32, #tpu.memory_space<hbm>> -> memref<128x128xf32, #tpu.memory_space<hbm>>
    %dma_start3A_694 = arith.constant 0 : i32
    %dma_start3A_695 = tpu.memref_slice %arg4[%add3A_686, %dma_start3A_694] : memref<81920x128xf32, #tpu.memory_space<hbm>> -> memref<128x128xf32, #tpu.memory_space<hbm>>
    %dma_start3A_696 = arith.constant 0 : i32
    %dma_start3A_697 = arith.constant 0 : i32
    %dma_start3A_698 = tpu.memref_slice %arg6[%dma_start3A_687, %dma_start3A_696, %dma_start3A_697] : memref<4x128x128xf32, #tpu.memory_space<vmem>> -> memref<1x128x128xf32, #tpu.memory_space<vmem>>
    %dma_start3A_699 = tpu.memref_squeeze %dma_start3A_698 : memref<1x128x128xf32, #tpu.memory_space<vmem>> -> memref<128x128xf32, #tpu.memory_space<vmem>>
    tpu.enqueue_dma source(%dma_start3A_699 : memref<128x128xf32, #tpu.memory_space<vmem>>) target(%dma_start3A_695 : memref<128x128xf32, #tpu.memory_space<hbm>>) target_semaphore(%arg11 : memref<!tpu.dma_semaphore, #tpu.memory_space<semaphore_mem>>)
    %dma_wait3A_700 = arith.constant 0 : i32
    %dma_wait3A_701 = arith.constant 0 : i32
    %dma_wait3A_702 = arith.constant 0 : i32
    %dma_wait3A_703 = tpu.memref_slice %arg6[%dma_wait3A_700, %dma_wait3A_701, %dma_wait3A_702] : memref<4x128x128xf32, #tpu.memory_space<vmem>> -> memref<1x128x128xf32, #tpu.memory_space<vmem>>
    %dma_wait3A_704 = tpu.memref_squeeze %dma_wait3A_703 : memref<1x128x128xf32, #tpu.memory_space<vmem>> -> memref<128x128xf32, #tpu.memory_space<vmem>>
    %dma_wait3A_705 = arith.constant 0 : i32
    %dma_wait3A_706 = tpu.memref_slice %arg4[%add3A_686, %dma_wait3A_705] : memref<81920x128xf32, #tpu.memory_space<hbm>> -> memref<128x128xf32, #tpu.memory_space<hbm>>
    %dma_wait3A_707 = arith.constant 0 : i32
    %dma_wait3A_708 = tpu.memref_slice %arg4[%add3A_686, %dma_wait3A_707] : memref<81920x128xf32, #tpu.memory_space<hbm>> -> memref<128x128xf32, #tpu.memory_space<hbm>>
    %dma_wait3A_709 = arith.constant 0 : i32
    %dma_wait3A_710 = arith.constant 0 : i32
    %dma_wait3A_711 = tpu.memref_slice %arg6[%dma_wait3A_700, %dma_wait3A_709, %dma_wait3A_710] : memref<4x128x128xf32, #tpu.memory_space<vmem>> -> memref<1x128x128xf32, #tpu.memory_space<vmem>>
    %dma_wait3A_712 = tpu.memref_squeeze %dma_wait3A_711 : memref<1x128x128xf32, #tpu.memory_space<vmem>> -> memref<128x128xf32, #tpu.memory_space<vmem>>
    tpu.wait_dma2 semaphore(%arg11 : memref<!tpu.dma_semaphore, #tpu.memory_space<semaphore_mem>>) src(%dma_wait3A_712 : memref<128x128xf32, #tpu.memory_space<vmem>>) dst(%dma_wait3A_708 : memref<128x128xf32, #tpu.memory_space<hbm>>)
    %dma_start3A_713 = arith.constant 16 : i32
    %dma_start3A_714 = arith.constant 0 : i32
    %dma_start3A_715 = arith.constant 0 : i32
    %dma_start3A_716 = arith.constant 0 : i32
    %dma_start3A_717 = tpu.memref_slice %arg6[%dma_start3A_714, %dma_start3A_715, %dma_start3A_716] : memref<4x128x128xf32, #tpu.memory_space<vmem>> -> memref<1x128x128xf32, #tpu.memory_space<vmem>>
    %dma_start3A_718 = tpu.memref_squeeze %dma_start3A_717 : memref<1x128x128xf32, #tpu.memory_space<vmem>> -> memref<128x128xf32, #tpu.memory_space<vmem>>
    %dma_start3A_719 = arith.constant 0 : i32
    %dma_start3A_720 = tpu.memref_slice %arg5[%dma_start3A_713, %dma_start3A_719] : memref<20x128xi32, #tpu.memory_space<vmem>> -> memref<1x128xi32, #tpu.memory_space<vmem>>
    %dma_start3A_721 = tpu.memref_squeeze %dma_start3A_720 : memref<1x128xi32, #tpu.memory_space<vmem>> -> memref<128xi32, #tpu.memory_space<vmem>>
    %dma_start3A_722 = arith.constant 0 : i32
    %dma_start3A_723 = arith.constant 0 : i32
    %dma_start3A_724 = tpu.memref_slice %arg2[%dma_start3A_722, %dma_start3A_723] : memref<4096x128xf32, #tpu.memory_space<hbm>> -> memref<4096x128xf32, #tpu.memory_space<hbm>>
    tpu.enqueue_indirect_dma source(%dma_start3A_724 : memref<4096x128xf32, #tpu.memory_space<hbm>>) target(%dma_start3A_718 : memref<128x128xf32, #tpu.memory_space<vmem>>) offsets(%dma_start3A_721 : memref<128xi32, #tpu.memory_space<vmem>>) semaphore(%arg7 : memref<!tpu.dma_semaphore, #tpu.memory_space<semaphore_mem>>)
    %dma_wait3A_725 = arith.constant 13 : i32
    %dma_wait3A_726 = arith.constant 1 : i32
    %dma_wait3A_727 = arith.constant 0 : i32
    %dma_wait3A_728 = arith.constant 0 : i32
    %dma_wait3A_729 = tpu.memref_slice %arg6[%dma_wait3A_726, %dma_wait3A_727, %dma_wait3A_728] : memref<4x128x128xf32, #tpu.memory_space<vmem>> -> memref<1x128x128xf32, #tpu.memory_space<vmem>>
    %dma_wait3A_730 = tpu.memref_squeeze %dma_wait3A_729 : memref<1x128x128xf32, #tpu.memory_space<vmem>> -> memref<128x128xf32, #tpu.memory_space<vmem>>
    %dma_wait3A_731 = arith.constant 0 : i32
    %dma_wait3A_732 = tpu.memref_slice %arg5[%dma_wait3A_725, %dma_wait3A_731] : memref<20x128xi32, #tpu.memory_space<vmem>> -> memref<1x128xi32, #tpu.memory_space<vmem>>
    %dma_wait3A_733 = tpu.memref_squeeze %dma_wait3A_732 : memref<1x128xi32, #tpu.memory_space<vmem>> -> memref<128xi32, #tpu.memory_space<vmem>>
    %dma_wait3A_734 = arith.constant 0 : i32
    %dma_wait3A_735 = arith.constant 0 : i32
    %dma_wait3A_736 = tpu.memref_slice %arg2[%dma_wait3A_734, %dma_wait3A_735] : memref<4096x128xf32, #tpu.memory_space<hbm>> -> memref<4096x128xf32, #tpu.memory_space<hbm>>
    tpu.wait_indirect_dma semaphore(%arg8 : memref<!tpu.dma_semaphore, #tpu.memory_space<semaphore_mem>>) src(%dma_wait3A_736 : memref<4096x128xf32, #tpu.memory_space<hbm>>) dst(%dma_wait3A_730 : memref<128x128xf32, #tpu.memory_space<vmem>>)
    %add3A_737 = arith.constant 1664 : i32
    %add3A_738 = arith.addi %mul3A_2, %add3A_737 : i32
    %dma_start3A_739 = arith.constant 1 : i32
    %dma_start3A_740 = arith.constant 0 : i32
    %dma_start3A_741 = arith.constant 0 : i32
    %dma_start3A_742 = tpu.memref_slice %arg6[%dma_start3A_739, %dma_start3A_740, %dma_start3A_741] : memref<4x128x128xf32, #tpu.memory_space<vmem>> -> memref<1x128x128xf32, #tpu.memory_space<vmem>>
    %dma_start3A_743 = tpu.memref_squeeze %dma_start3A_742 : memref<1x128x128xf32, #tpu.memory_space<vmem>> -> memref<128x128xf32, #tpu.memory_space<vmem>>
    %dma_start3A_744 = arith.constant 0 : i32
    %dma_start3A_745 = tpu.memref_slice %arg4[%add3A_738, %dma_start3A_744] : memref<81920x128xf32, #tpu.memory_space<hbm>> -> memref<128x128xf32, #tpu.memory_space<hbm>>
    %dma_start3A_746 = arith.constant 0 : i32
    %dma_start3A_747 = tpu.memref_slice %arg4[%add3A_738, %dma_start3A_746] : memref<81920x128xf32, #tpu.memory_space<hbm>> -> memref<128x128xf32, #tpu.memory_space<hbm>>
    %dma_start3A_748 = arith.constant 0 : i32
    %dma_start3A_749 = arith.constant 0 : i32
    %dma_start3A_750 = tpu.memref_slice %arg6[%dma_start3A_739, %dma_start3A_748, %dma_start3A_749] : memref<4x128x128xf32, #tpu.memory_space<vmem>> -> memref<1x128x128xf32, #tpu.memory_space<vmem>>
    %dma_start3A_751 = tpu.memref_squeeze %dma_start3A_750 : memref<1x128x128xf32, #tpu.memory_space<vmem>> -> memref<128x128xf32, #tpu.memory_space<vmem>>
    tpu.enqueue_dma source(%dma_start3A_751 : memref<128x128xf32, #tpu.memory_space<vmem>>) target(%dma_start3A_747 : memref<128x128xf32, #tpu.memory_space<hbm>>) target_semaphore(%arg12 : memref<!tpu.dma_semaphore, #tpu.memory_space<semaphore_mem>>)
    %dma_wait3A_752 = arith.constant 1 : i32
    %dma_wait3A_753 = arith.constant 0 : i32
    %dma_wait3A_754 = arith.constant 0 : i32
    %dma_wait3A_755 = tpu.memref_slice %arg6[%dma_wait3A_752, %dma_wait3A_753, %dma_wait3A_754] : memref<4x128x128xf32, #tpu.memory_space<vmem>> -> memref<1x128x128xf32, #tpu.memory_space<vmem>>
    %dma_wait3A_756 = tpu.memref_squeeze %dma_wait3A_755 : memref<1x128x128xf32, #tpu.memory_space<vmem>> -> memref<128x128xf32, #tpu.memory_space<vmem>>
    %dma_wait3A_757 = arith.constant 0 : i32
    %dma_wait3A_758 = tpu.memref_slice %arg4[%add3A_738, %dma_wait3A_757] : memref<81920x128xf32, #tpu.memory_space<hbm>> -> memref<128x128xf32, #tpu.memory_space<hbm>>
    %dma_wait3A_759 = arith.constant 0 : i32
    %dma_wait3A_760 = tpu.memref_slice %arg4[%add3A_738, %dma_wait3A_759] : memref<81920x128xf32, #tpu.memory_space<hbm>> -> memref<128x128xf32, #tpu.memory_space<hbm>>
    %dma_wait3A_761 = arith.constant 0 : i32
    %dma_wait3A_762 = arith.constant 0 : i32
    %dma_wait3A_763 = tpu.memref_slice %arg6[%dma_wait3A_752, %dma_wait3A_761, %dma_wait3A_762] : memref<4x128x128xf32, #tpu.memory_space<vmem>> -> memref<1x128x128xf32, #tpu.memory_space<vmem>>
    %dma_wait3A_764 = tpu.memref_squeeze %dma_wait3A_763 : memref<1x128x128xf32, #tpu.memory_space<vmem>> -> memref<128x128xf32, #tpu.memory_space<vmem>>
    tpu.wait_dma2 semaphore(%arg12 : memref<!tpu.dma_semaphore, #tpu.memory_space<semaphore_mem>>) src(%dma_wait3A_764 : memref<128x128xf32, #tpu.memory_space<vmem>>) dst(%dma_wait3A_760 : memref<128x128xf32, #tpu.memory_space<hbm>>)
    %dma_start3A_765 = arith.constant 17 : i32
    %dma_start3A_766 = arith.constant 1 : i32
    %dma_start3A_767 = arith.constant 0 : i32
    %dma_start3A_768 = arith.constant 0 : i32
    %dma_start3A_769 = tpu.memref_slice %arg6[%dma_start3A_766, %dma_start3A_767, %dma_start3A_768] : memref<4x128x128xf32, #tpu.memory_space<vmem>> -> memref<1x128x128xf32, #tpu.memory_space<vmem>>
    %dma_start3A_770 = tpu.memref_squeeze %dma_start3A_769 : memref<1x128x128xf32, #tpu.memory_space<vmem>> -> memref<128x128xf32, #tpu.memory_space<vmem>>
    %dma_start3A_771 = arith.constant 0 : i32
    %dma_start3A_772 = tpu.memref_slice %arg5[%dma_start3A_765, %dma_start3A_771] : memref<20x128xi32, #tpu.memory_space<vmem>> -> memref<1x128xi32, #tpu.memory_space<vmem>>
    %dma_start3A_773 = tpu.memref_squeeze %dma_start3A_772 : memref<1x128xi32, #tpu.memory_space<vmem>> -> memref<128xi32, #tpu.memory_space<vmem>>
    %dma_start3A_774 = arith.constant 0 : i32
    %dma_start3A_775 = arith.constant 0 : i32
    %dma_start3A_776 = tpu.memref_slice %arg2[%dma_start3A_774, %dma_start3A_775] : memref<4096x128xf32, #tpu.memory_space<hbm>> -> memref<4096x128xf32, #tpu.memory_space<hbm>>
    tpu.enqueue_indirect_dma source(%dma_start3A_776 : memref<4096x128xf32, #tpu.memory_space<hbm>>) target(%dma_start3A_770 : memref<128x128xf32, #tpu.memory_space<vmem>>) offsets(%dma_start3A_773 : memref<128xi32, #tpu.memory_space<vmem>>) semaphore(%arg8 : memref<!tpu.dma_semaphore, #tpu.memory_space<semaphore_mem>>)
    %dma_wait3A_777 = arith.constant 14 : i32
    %dma_wait3A_778 = arith.constant 2 : i32
    %dma_wait3A_779 = arith.constant 0 : i32
    %dma_wait3A_780 = arith.constant 0 : i32
    %dma_wait3A_781 = tpu.memref_slice %arg6[%dma_wait3A_778, %dma_wait3A_779, %dma_wait3A_780] : memref<4x128x128xf32, #tpu.memory_space<vmem>> -> memref<1x128x128xf32, #tpu.memory_space<vmem>>
    %dma_wait3A_782 = tpu.memref_squeeze %dma_wait3A_781 : memref<1x128x128xf32, #tpu.memory_space<vmem>> -> memref<128x128xf32, #tpu.memory_space<vmem>>
    %dma_wait3A_783 = arith.constant 0 : i32
    %dma_wait3A_784 = tpu.memref_slice %arg5[%dma_wait3A_777, %dma_wait3A_783] : memref<20x128xi32, #tpu.memory_space<vmem>> -> memref<1x128xi32, #tpu.memory_space<vmem>>
    %dma_wait3A_785 = tpu.memref_squeeze %dma_wait3A_784 : memref<1x128xi32, #tpu.memory_space<vmem>> -> memref<128xi32, #tpu.memory_space<vmem>>
    %dma_wait3A_786 = arith.constant 0 : i32
    %dma_wait3A_787 = arith.constant 0 : i32
    %dma_wait3A_788 = tpu.memref_slice %arg2[%dma_wait3A_786, %dma_wait3A_787] : memref<4096x128xf32, #tpu.memory_space<hbm>> -> memref<4096x128xf32, #tpu.memory_space<hbm>>
    tpu.wait_indirect_dma semaphore(%arg9 : memref<!tpu.dma_semaphore, #tpu.memory_space<semaphore_mem>>) src(%dma_wait3A_788 : memref<4096x128xf32, #tpu.memory_space<hbm>>) dst(%dma_wait3A_782 : memref<128x128xf32, #tpu.memory_space<vmem>>)
    %add3A_789 = arith.constant 1792 : i32
    %add3A_790 = arith.addi %mul3A_2, %add3A_789 : i32
    %dma_start3A_791 = arith.constant 2 : i32
    %dma_start3A_792 = arith.constant 0 : i32
    %dma_start3A_793 = arith.constant 0 : i32
    %dma_start3A_794 = tpu.memref_slice %arg6[%dma_start3A_791, %dma_start3A_792, %dma_start3A_793] : memref<4x128x128xf32, #tpu.memory_space<vmem>> -> memref<1x128x128xf32, #tpu.memory_space<vmem>>
    %dma_start3A_795 = tpu.memref_squeeze %dma_start3A_794 : memref<1x128x128xf32, #tpu.memory_space<vmem>> -> memref<128x128xf32, #tpu.memory_space<vmem>>
    %dma_start3A_796 = arith.constant 0 : i32
    %dma_start3A_797 = tpu.memref_slice %arg4[%add3A_790, %dma_start3A_796] : memref<81920x128xf32, #tpu.memory_space<hbm>> -> memref<128x128xf32, #tpu.memory_space<hbm>>
    %dma_start3A_798 = arith.constant 0 : i32
    %dma_start3A_799 = tpu.memref_slice %arg4[%add3A_790, %dma_start3A_798] : memref<81920x128xf32, #tpu.memory_space<hbm>> -> memref<128x128xf32, #tpu.memory_space<hbm>>
    %dma_start3A_800 = arith.constant 0 : i32
    %dma_start3A_801 = arith.constant 0 : i32
    %dma_start3A_802 = tpu.memref_slice %arg6[%dma_start3A_791, %dma_start3A_800, %dma_start3A_801] : memref<4x128x128xf32, #tpu.memory_space<vmem>> -> memref<1x128x128xf32, #tpu.memory_space<vmem>>
    %dma_start3A_803 = tpu.memref_squeeze %dma_start3A_802 : memref<1x128x128xf32, #tpu.memory_space<vmem>> -> memref<128x128xf32, #tpu.memory_space<vmem>>
    tpu.enqueue_dma source(%dma_start3A_803 : memref<128x128xf32, #tpu.memory_space<vmem>>) target(%dma_start3A_799 : memref<128x128xf32, #tpu.memory_space<hbm>>) target_semaphore(%arg13 : memref<!tpu.dma_semaphore, #tpu.memory_space<semaphore_mem>>)
    %dma_wait3A_804 = arith.constant 2 : i32
    %dma_wait3A_805 = arith.constant 0 : i32
    %dma_wait3A_806 = arith.constant 0 : i32
    %dma_wait3A_807 = tpu.memref_slice %arg6[%dma_wait3A_804, %dma_wait3A_805, %dma_wait3A_806] : memref<4x128x128xf32, #tpu.memory_space<vmem>> -> memref<1x128x128xf32, #tpu.memory_space<vmem>>
    %dma_wait3A_808 = tpu.memref_squeeze %dma_wait3A_807 : memref<1x128x128xf32, #tpu.memory_space<vmem>> -> memref<128x128xf32, #tpu.memory_space<vmem>>
    %dma_wait3A_809 = arith.constant 0 : i32
    %dma_wait3A_810 = tpu.memref_slice %arg4[%add3A_790, %dma_wait3A_809] : memref<81920x128xf32, #tpu.memory_space<hbm>> -> memref<128x128xf32, #tpu.memory_space<hbm>>
    %dma_wait3A_811 = arith.constant 0 : i32
    %dma_wait3A_812 = tpu.memref_slice %arg4[%add3A_790, %dma_wait3A_811] : memref<81920x128xf32, #tpu.memory_space<hbm>> -> memref<128x128xf32, #tpu.memory_space<hbm>>
    %dma_wait3A_813 = arith.constant 0 : i32
    %dma_wait3A_814 = arith.constant 0 : i32
    %dma_wait3A_815 = tpu.memref_slice %arg6[%dma_wait3A_804, %dma_wait3A_813, %dma_wait3A_814] : memref<4x128x128xf32, #tpu.memory_space<vmem>> -> memref<1x128x128xf32, #tpu.memory_space<vmem>>
    %dma_wait3A_816 = tpu.memref_squeeze %dma_wait3A_815 : memref<1x128x128xf32, #tpu.memory_space<vmem>> -> memref<128x128xf32, #tpu.memory_space<vmem>>
    tpu.wait_dma2 semaphore(%arg13 : memref<!tpu.dma_semaphore, #tpu.memory_space<semaphore_mem>>) src(%dma_wait3A_816 : memref<128x128xf32, #tpu.memory_space<vmem>>) dst(%dma_wait3A_812 : memref<128x128xf32, #tpu.memory_space<hbm>>)
    %dma_start3A_817 = arith.constant 18 : i32
    %dma_start3A_818 = arith.constant 2 : i32
    %dma_start3A_819 = arith.constant 0 : i32
    %dma_start3A_820 = arith.constant 0 : i32
    %dma_start3A_821 = tpu.memref_slice %arg6[%dma_start3A_818, %dma_start3A_819, %dma_start3A_820] : memref<4x128x128xf32, #tpu.memory_space<vmem>> -> memref<1x128x128xf32, #tpu.memory_space<vmem>>
    %dma_start3A_822 = tpu.memref_squeeze %dma_start3A_821 : memref<1x128x128xf32, #tpu.memory_space<vmem>> -> memref<128x128xf32, #tpu.memory_space<vmem>>
    %dma_start3A_823 = arith.constant 0 : i32
    %dma_start3A_824 = tpu.memref_slice %arg5[%dma_start3A_817, %dma_start3A_823] : memref<20x128xi32, #tpu.memory_space<vmem>> -> memref<1x128xi32, #tpu.memory_space<vmem>>
    %dma_start3A_825 = tpu.memref_squeeze %dma_start3A_824 : memref<1x128xi32, #tpu.memory_space<vmem>> -> memref<128xi32, #tpu.memory_space<vmem>>
    %dma_start3A_826 = arith.constant 0 : i32
    %dma_start3A_827 = arith.constant 0 : i32
    %dma_start3A_828 = tpu.memref_slice %arg2[%dma_start3A_826, %dma_start3A_827] : memref<4096x128xf32, #tpu.memory_space<hbm>> -> memref<4096x128xf32, #tpu.memory_space<hbm>>
    tpu.enqueue_indirect_dma source(%dma_start3A_828 : memref<4096x128xf32, #tpu.memory_space<hbm>>) target(%dma_start3A_822 : memref<128x128xf32, #tpu.memory_space<vmem>>) offsets(%dma_start3A_825 : memref<128xi32, #tpu.memory_space<vmem>>) semaphore(%arg9 : memref<!tpu.dma_semaphore, #tpu.memory_space<semaphore_mem>>)
    %dma_wait3A_829 = arith.constant 15 : i32
    %dma_wait3A_830 = arith.constant 3 : i32
    %dma_wait3A_831 = arith.constant 0 : i32
    %dma_wait3A_832 = arith.constant 0 : i32
    %dma_wait3A_833 = tpu.memref_slice %arg6[%dma_wait3A_830, %dma_wait3A_831, %dma_wait3A_832] : memref<4x128x128xf32, #tpu.memory_space<vmem>> -> memref<1x128x128xf32, #tpu.memory_space<vmem>>
    %dma_wait3A_834 = tpu.memref_squeeze %dma_wait3A_833 : memref<1x128x128xf32, #tpu.memory_space<vmem>> -> memref<128x128xf32, #tpu.memory_space<vmem>>
    %dma_wait3A_835 = arith.constant 0 : i32
    %dma_wait3A_836 = tpu.memref_slice %arg5[%dma_wait3A_829, %dma_wait3A_835] : memref<20x128xi32, #tpu.memory_space<vmem>> -> memref<1x128xi32, #tpu.memory_space<vmem>>
    %dma_wait3A_837 = tpu.memref_squeeze %dma_wait3A_836 : memref<1x128xi32, #tpu.memory_space<vmem>> -> memref<128xi32, #tpu.memory_space<vmem>>
    %dma_wait3A_838 = arith.constant 0 : i32
    %dma_wait3A_839 = arith.constant 0 : i32
    %dma_wait3A_840 = tpu.memref_slice %arg2[%dma_wait3A_838, %dma_wait3A_839] : memref<4096x128xf32, #tpu.memory_space<hbm>> -> memref<4096x128xf32, #tpu.memory_space<hbm>>
    tpu.wait_indirect_dma semaphore(%arg10 : memref<!tpu.dma_semaphore, #tpu.memory_space<semaphore_mem>>) src(%dma_wait3A_840 : memref<4096x128xf32, #tpu.memory_space<hbm>>) dst(%dma_wait3A_834 : memref<128x128xf32, #tpu.memory_space<vmem>>)
    %add3A_841 = arith.constant 1920 : i32
    %add3A_842 = arith.addi %mul3A_2, %add3A_841 : i32
    %dma_start3A_843 = arith.constant 3 : i32
    %dma_start3A_844 = arith.constant 0 : i32
    %dma_start3A_845 = arith.constant 0 : i32
    %dma_start3A_846 = tpu.memref_slice %arg6[%dma_start3A_843, %dma_start3A_844, %dma_start3A_845] : memref<4x128x128xf32, #tpu.memory_space<vmem>> -> memref<1x128x128xf32, #tpu.memory_space<vmem>>
    %dma_start3A_847 = tpu.memref_squeeze %dma_start3A_846 : memref<1x128x128xf32, #tpu.memory_space<vmem>> -> memref<128x128xf32, #tpu.memory_space<vmem>>
    %dma_start3A_848 = arith.constant 0 : i32
    %dma_start3A_849 = tpu.memref_slice %arg4[%add3A_842, %dma_start3A_848] : memref<81920x128xf32, #tpu.memory_space<hbm>> -> memref<128x128xf32, #tpu.memory_space<hbm>>
    %dma_start3A_850 = arith.constant 0 : i32
    %dma_start3A_851 = tpu.memref_slice %arg4[%add3A_842, %dma_start3A_850] : memref<81920x128xf32, #tpu.memory_space<hbm>> -> memref<128x128xf32, #tpu.memory_space<hbm>>
    %dma_start3A_852 = arith.constant 0 : i32
    %dma_start3A_853 = arith.constant 0 : i32
    %dma_start3A_854 = tpu.memref_slice %arg6[%dma_start3A_843, %dma_start3A_852, %dma_start3A_853] : memref<4x128x128xf32, #tpu.memory_space<vmem>> -> memref<1x128x128xf32, #tpu.memory_space<vmem>>
    %dma_start3A_855 = tpu.memref_squeeze %dma_start3A_854 : memref<1x128x128xf32, #tpu.memory_space<vmem>> -> memref<128x128xf32, #tpu.memory_space<vmem>>
    tpu.enqueue_dma source(%dma_start3A_855 : memref<128x128xf32, #tpu.memory_space<vmem>>) target(%dma_start3A_851 : memref<128x128xf32, #tpu.memory_space<hbm>>) target_semaphore(%arg14 : memref<!tpu.dma_semaphore, #tpu.memory_space<semaphore_mem>>)
    %dma_wait3A_856 = arith.constant 3 : i32
    %dma_wait3A_857 = arith.constant 0 : i32
    %dma_wait3A_858 = arith.constant 0 : i32
    %dma_wait3A_859 = tpu.memref_slice %arg6[%dma_wait3A_856, %dma_wait3A_857, %dma_wait3A_858] : memref<4x128x128xf32, #tpu.memory_space<vmem>> -> memref<1x128x128xf32, #tpu.memory_space<vmem>>
    %dma_wait3A_860 = tpu.memref_squeeze %dma_wait3A_859 : memref<1x128x128xf32, #tpu.memory_space<vmem>> -> memref<128x128xf32, #tpu.memory_space<vmem>>
    %dma_wait3A_861 = arith.constant 0 : i32
    %dma_wait3A_862 = tpu.memref_slice %arg4[%add3A_842, %dma_wait3A_861] : memref<81920x128xf32, #tpu.memory_space<hbm>> -> memref<128x128xf32, #tpu.memory_space<hbm>>
    %dma_wait3A_863 = arith.constant 0 : i32
    %dma_wait3A_864 = tpu.memref_slice %arg4[%add3A_842, %dma_wait3A_863] : memref<81920x128xf32, #tpu.memory_space<hbm>> -> memref<128x128xf32, #tpu.memory_space<hbm>>
    %dma_wait3A_865 = arith.constant 0 : i32
    %dma_wait3A_866 = arith.constant 0 : i32
    %dma_wait3A_867 = tpu.memref_slice %arg6[%dma_wait3A_856, %dma_wait3A_865, %dma_wait3A_866] : memref<4x128x128xf32, #tpu.memory_space<vmem>> -> memref<1x128x128xf32, #tpu.memory_space<vmem>>
    %dma_wait3A_868 = tpu.memref_squeeze %dma_wait3A_867 : memref<1x128x128xf32, #tpu.memory_space<vmem>> -> memref<128x128xf32, #tpu.memory_space<vmem>>
    tpu.wait_dma2 semaphore(%arg14 : memref<!tpu.dma_semaphore, #tpu.memory_space<semaphore_mem>>) src(%dma_wait3A_868 : memref<128x128xf32, #tpu.memory_space<vmem>>) dst(%dma_wait3A_864 : memref<128x128xf32, #tpu.memory_space<hbm>>)
    %dma_start3A_869 = arith.constant 19 : i32
    %dma_start3A_870 = arith.constant 3 : i32
    %dma_start3A_871 = arith.constant 0 : i32
    %dma_start3A_872 = arith.constant 0 : i32
    %dma_start3A_873 = tpu.memref_slice %arg6[%dma_start3A_870, %dma_start3A_871, %dma_start3A_872] : memref<4x128x128xf32, #tpu.memory_space<vmem>> -> memref<1x128x128xf32, #tpu.memory_space<vmem>>
    %dma_start3A_874 = tpu.memref_squeeze %dma_start3A_873 : memref<1x128x128xf32, #tpu.memory_space<vmem>> -> memref<128x128xf32, #tpu.memory_space<vmem>>
    %dma_start3A_875 = arith.constant 0 : i32
    %dma_start3A_876 = tpu.memref_slice %arg5[%dma_start3A_869, %dma_start3A_875] : memref<20x128xi32, #tpu.memory_space<vmem>> -> memref<1x128xi32, #tpu.memory_space<vmem>>
    %dma_start3A_877 = tpu.memref_squeeze %dma_start3A_876 : memref<1x128xi32, #tpu.memory_space<vmem>> -> memref<128xi32, #tpu.memory_space<vmem>>
    %dma_start3A_878 = arith.constant 0 : i32
    %dma_start3A_879 = arith.constant 0 : i32
    %dma_start3A_880 = tpu.memref_slice %arg2[%dma_start3A_878, %dma_start3A_879] : memref<4096x128xf32, #tpu.memory_space<hbm>> -> memref<4096x128xf32, #tpu.memory_space<hbm>>
    tpu.enqueue_indirect_dma source(%dma_start3A_880 : memref<4096x128xf32, #tpu.memory_space<hbm>>) target(%dma_start3A_874 : memref<128x128xf32, #tpu.memory_space<vmem>>) offsets(%dma_start3A_877 : memref<128xi32, #tpu.memory_space<vmem>>) semaphore(%arg10 : memref<!tpu.dma_semaphore, #tpu.memory_space<semaphore_mem>>)
    %dma_wait3A_881 = arith.constant 16 : i32
    %dma_wait3A_882 = arith.constant 0 : i32
    %dma_wait3A_883 = arith.constant 0 : i32
    %dma_wait3A_884 = arith.constant 0 : i32
    %dma_wait3A_885 = tpu.memref_slice %arg6[%dma_wait3A_882, %dma_wait3A_883, %dma_wait3A_884] : memref<4x128x128xf32, #tpu.memory_space<vmem>> -> memref<1x128x128xf32, #tpu.memory_space<vmem>>
    %dma_wait3A_886 = tpu.memref_squeeze %dma_wait3A_885 : memref<1x128x128xf32, #tpu.memory_space<vmem>> -> memref<128x128xf32, #tpu.memory_space<vmem>>
    %dma_wait3A_887 = arith.constant 0 : i32
    %dma_wait3A_888 = tpu.memref_slice %arg5[%dma_wait3A_881, %dma_wait3A_887] : memref<20x128xi32, #tpu.memory_space<vmem>> -> memref<1x128xi32, #tpu.memory_space<vmem>>
    %dma_wait3A_889 = tpu.memref_squeeze %dma_wait3A_888 : memref<1x128xi32, #tpu.memory_space<vmem>> -> memref<128xi32, #tpu.memory_space<vmem>>
    %dma_wait3A_890 = arith.constant 0 : i32
    %dma_wait3A_891 = arith.constant 0 : i32
    %dma_wait3A_892 = tpu.memref_slice %arg2[%dma_wait3A_890, %dma_wait3A_891] : memref<4096x128xf32, #tpu.memory_space<hbm>> -> memref<4096x128xf32, #tpu.memory_space<hbm>>
    tpu.wait_indirect_dma semaphore(%arg7 : memref<!tpu.dma_semaphore, #tpu.memory_space<semaphore_mem>>) src(%dma_wait3A_892 : memref<4096x128xf32, #tpu.memory_space<hbm>>) dst(%dma_wait3A_886 : memref<128x128xf32, #tpu.memory_space<vmem>>)
    %add3A_893 = arith.constant 2048 : i32
    %add3A_894 = arith.addi %mul3A_2, %add3A_893 : i32
    %dma_start3A_895 = arith.constant 0 : i32
    %dma_start3A_896 = arith.constant 0 : i32
    %dma_start3A_897 = arith.constant 0 : i32
    %dma_start3A_898 = tpu.memref_slice %arg6[%dma_start3A_895, %dma_start3A_896, %dma_start3A_897] : memref<4x128x128xf32, #tpu.memory_space<vmem>> -> memref<1x128x128xf32, #tpu.memory_space<vmem>>
    %dma_start3A_899 = tpu.memref_squeeze %dma_start3A_898 : memref<1x128x128xf32, #tpu.memory_space<vmem>> -> memref<128x128xf32, #tpu.memory_space<vmem>>
    %dma_start3A_900 = arith.constant 0 : i32
    %dma_start3A_901 = tpu.memref_slice %arg4[%add3A_894, %dma_start3A_900] : memref<81920x128xf32, #tpu.memory_space<hbm>> -> memref<128x128xf32, #tpu.memory_space<hbm>>
    %dma_start3A_902 = arith.constant 0 : i32
    %dma_start3A_903 = tpu.memref_slice %arg4[%add3A_894, %dma_start3A_902] : memref<81920x128xf32, #tpu.memory_space<hbm>> -> memref<128x128xf32, #tpu.memory_space<hbm>>
    %dma_start3A_904 = arith.constant 0 : i32
    %dma_start3A_905 = arith.constant 0 : i32
    %dma_start3A_906 = tpu.memref_slice %arg6[%dma_start3A_895, %dma_start3A_904, %dma_start3A_905] : memref<4x128x128xf32, #tpu.memory_space<vmem>> -> memref<1x128x128xf32, #tpu.memory_space<vmem>>
    %dma_start3A_907 = tpu.memref_squeeze %dma_start3A_906 : memref<1x128x128xf32, #tpu.memory_space<vmem>> -> memref<128x128xf32, #tpu.memory_space<vmem>>
    tpu.enqueue_dma source(%dma_start3A_907 : memref<128x128xf32, #tpu.memory_space<vmem>>) target(%dma_start3A_903 : memref<128x128xf32, #tpu.memory_space<hbm>>) target_semaphore(%arg11 : memref<!tpu.dma_semaphore, #tpu.memory_space<semaphore_mem>>)
    %dma_wait3A_908 = arith.constant 17 : i32
    %dma_wait3A_909 = arith.constant 1 : i32
    %dma_wait3A_910 = arith.constant 0 : i32
    %dma_wait3A_911 = arith.constant 0 : i32
    %dma_wait3A_912 = tpu.memref_slice %arg6[%dma_wait3A_909, %dma_wait3A_910, %dma_wait3A_911] : memref<4x128x128xf32, #tpu.memory_space<vmem>> -> memref<1x128x128xf32, #tpu.memory_space<vmem>>
    %dma_wait3A_913 = tpu.memref_squeeze %dma_wait3A_912 : memref<1x128x128xf32, #tpu.memory_space<vmem>> -> memref<128x128xf32, #tpu.memory_space<vmem>>
    %dma_wait3A_914 = arith.constant 0 : i32
    %dma_wait3A_915 = tpu.memref_slice %arg5[%dma_wait3A_908, %dma_wait3A_914] : memref<20x128xi32, #tpu.memory_space<vmem>> -> memref<1x128xi32, #tpu.memory_space<vmem>>
    %dma_wait3A_916 = tpu.memref_squeeze %dma_wait3A_915 : memref<1x128xi32, #tpu.memory_space<vmem>> -> memref<128xi32, #tpu.memory_space<vmem>>
    %dma_wait3A_917 = arith.constant 0 : i32
    %dma_wait3A_918 = arith.constant 0 : i32
    %dma_wait3A_919 = tpu.memref_slice %arg2[%dma_wait3A_917, %dma_wait3A_918] : memref<4096x128xf32, #tpu.memory_space<hbm>> -> memref<4096x128xf32, #tpu.memory_space<hbm>>
    tpu.wait_indirect_dma semaphore(%arg8 : memref<!tpu.dma_semaphore, #tpu.memory_space<semaphore_mem>>) src(%dma_wait3A_919 : memref<4096x128xf32, #tpu.memory_space<hbm>>) dst(%dma_wait3A_913 : memref<128x128xf32, #tpu.memory_space<vmem>>)
    %add3A_920 = arith.constant 2176 : i32
    %add3A_921 = arith.addi %mul3A_2, %add3A_920 : i32
    %dma_start3A_922 = arith.constant 1 : i32
    %dma_start3A_923 = arith.constant 0 : i32
    %dma_start3A_924 = arith.constant 0 : i32
    %dma_start3A_925 = tpu.memref_slice %arg6[%dma_start3A_922, %dma_start3A_923, %dma_start3A_924] : memref<4x128x128xf32, #tpu.memory_space<vmem>> -> memref<1x128x128xf32, #tpu.memory_space<vmem>>
    %dma_start3A_926 = tpu.memref_squeeze %dma_start3A_925 : memref<1x128x128xf32, #tpu.memory_space<vmem>> -> memref<128x128xf32, #tpu.memory_space<vmem>>
    %dma_start3A_927 = arith.constant 0 : i32
    %dma_start3A_928 = tpu.memref_slice %arg4[%add3A_921, %dma_start3A_927] : memref<81920x128xf32, #tpu.memory_space<hbm>> -> memref<128x128xf32, #tpu.memory_space<hbm>>
    %dma_start3A_929 = arith.constant 0 : i32
    %dma_start3A_930 = tpu.memref_slice %arg4[%add3A_921, %dma_start3A_929] : memref<81920x128xf32, #tpu.memory_space<hbm>> -> memref<128x128xf32, #tpu.memory_space<hbm>>
    %dma_start3A_931 = arith.constant 0 : i32
    %dma_start3A_932 = arith.constant 0 : i32
    %dma_start3A_933 = tpu.memref_slice %arg6[%dma_start3A_922, %dma_start3A_931, %dma_start3A_932] : memref<4x128x128xf32, #tpu.memory_space<vmem>> -> memref<1x128x128xf32, #tpu.memory_space<vmem>>
    %dma_start3A_934 = tpu.memref_squeeze %dma_start3A_933 : memref<1x128x128xf32, #tpu.memory_space<vmem>> -> memref<128x128xf32, #tpu.memory_space<vmem>>
    tpu.enqueue_dma source(%dma_start3A_934 : memref<128x128xf32, #tpu.memory_space<vmem>>) target(%dma_start3A_930 : memref<128x128xf32, #tpu.memory_space<hbm>>) target_semaphore(%arg12 : memref<!tpu.dma_semaphore, #tpu.memory_space<semaphore_mem>>)
    %dma_wait3A_935 = arith.constant 18 : i32
    %dma_wait3A_936 = arith.constant 2 : i32
    %dma_wait3A_937 = arith.constant 0 : i32
    %dma_wait3A_938 = arith.constant 0 : i32
    %dma_wait3A_939 = tpu.memref_slice %arg6[%dma_wait3A_936, %dma_wait3A_937, %dma_wait3A_938] : memref<4x128x128xf32, #tpu.memory_space<vmem>> -> memref<1x128x128xf32, #tpu.memory_space<vmem>>
    %dma_wait3A_940 = tpu.memref_squeeze %dma_wait3A_939 : memref<1x128x128xf32, #tpu.memory_space<vmem>> -> memref<128x128xf32, #tpu.memory_space<vmem>>
    %dma_wait3A_941 = arith.constant 0 : i32
    %dma_wait3A_942 = tpu.memref_slice %arg5[%dma_wait3A_935, %dma_wait3A_941] : memref<20x128xi32, #tpu.memory_space<vmem>> -> memref<1x128xi32, #tpu.memory_space<vmem>>
    %dma_wait3A_943 = tpu.memref_squeeze %dma_wait3A_942 : memref<1x128xi32, #tpu.memory_space<vmem>> -> memref<128xi32, #tpu.memory_space<vmem>>
    %dma_wait3A_944 = arith.constant 0 : i32
    %dma_wait3A_945 = arith.constant 0 : i32
    %dma_wait3A_946 = tpu.memref_slice %arg2[%dma_wait3A_944, %dma_wait3A_945] : memref<4096x128xf32, #tpu.memory_space<hbm>> -> memref<4096x128xf32, #tpu.memory_space<hbm>>
    tpu.wait_indirect_dma semaphore(%arg9 : memref<!tpu.dma_semaphore, #tpu.memory_space<semaphore_mem>>) src(%dma_wait3A_946 : memref<4096x128xf32, #tpu.memory_space<hbm>>) dst(%dma_wait3A_940 : memref<128x128xf32, #tpu.memory_space<vmem>>)
    %add3A_947 = arith.constant 2304 : i32
    %add3A_948 = arith.addi %mul3A_2, %add3A_947 : i32
    %dma_start3A_949 = arith.constant 2 : i32
    %dma_start3A_950 = arith.constant 0 : i32
    %dma_start3A_951 = arith.constant 0 : i32
    %dma_start3A_952 = tpu.memref_slice %arg6[%dma_start3A_949, %dma_start3A_950, %dma_start3A_951] : memref<4x128x128xf32, #tpu.memory_space<vmem>> -> memref<1x128x128xf32, #tpu.memory_space<vmem>>
    %dma_start3A_953 = tpu.memref_squeeze %dma_start3A_952 : memref<1x128x128xf32, #tpu.memory_space<vmem>> -> memref<128x128xf32, #tpu.memory_space<vmem>>
    %dma_start3A_954 = arith.constant 0 : i32
    %dma_start3A_955 = tpu.memref_slice %arg4[%add3A_948, %dma_start3A_954] : memref<81920x128xf32, #tpu.memory_space<hbm>> -> memref<128x128xf32, #tpu.memory_space<hbm>>
    %dma_start3A_956 = arith.constant 0 : i32
    %dma_start3A_957 = tpu.memref_slice %arg4[%add3A_948, %dma_start3A_956] : memref<81920x128xf32, #tpu.memory_space<hbm>> -> memref<128x128xf32, #tpu.memory_space<hbm>>
    %dma_start3A_958 = arith.constant 0 : i32
    %dma_start3A_959 = arith.constant 0 : i32
    %dma_start3A_960 = tpu.memref_slice %arg6[%dma_start3A_949, %dma_start3A_958, %dma_start3A_959] : memref<4x128x128xf32, #tpu.memory_space<vmem>> -> memref<1x128x128xf32, #tpu.memory_space<vmem>>
    %dma_start3A_961 = tpu.memref_squeeze %dma_start3A_960 : memref<1x128x128xf32, #tpu.memory_space<vmem>> -> memref<128x128xf32, #tpu.memory_space<vmem>>
    tpu.enqueue_dma source(%dma_start3A_961 : memref<128x128xf32, #tpu.memory_space<vmem>>) target(%dma_start3A_957 : memref<128x128xf32, #tpu.memory_space<hbm>>) target_semaphore(%arg13 : memref<!tpu.dma_semaphore, #tpu.memory_space<semaphore_mem>>)
    %dma_wait3A_962 = arith.constant 19 : i32
    %dma_wait3A_963 = arith.constant 3 : i32
    %dma_wait3A_964 = arith.constant 0 : i32
    %dma_wait3A_965 = arith.constant 0 : i32
    %dma_wait3A_966 = tpu.memref_slice %arg6[%dma_wait3A_963, %dma_wait3A_964, %dma_wait3A_965] : memref<4x128x128xf32, #tpu.memory_space<vmem>> -> memref<1x128x128xf32, #tpu.memory_space<vmem>>
    %dma_wait3A_967 = tpu.memref_squeeze %dma_wait3A_966 : memref<1x128x128xf32, #tpu.memory_space<vmem>> -> memref<128x128xf32, #tpu.memory_space<vmem>>
    %dma_wait3A_968 = arith.constant 0 : i32
    %dma_wait3A_969 = tpu.memref_slice %arg5[%dma_wait3A_962, %dma_wait3A_968] : memref<20x128xi32, #tpu.memory_space<vmem>> -> memref<1x128xi32, #tpu.memory_space<vmem>>
    %dma_wait3A_970 = tpu.memref_squeeze %dma_wait3A_969 : memref<1x128xi32, #tpu.memory_space<vmem>> -> memref<128xi32, #tpu.memory_space<vmem>>
    %dma_wait3A_971 = arith.constant 0 : i32
    %dma_wait3A_972 = arith.constant 0 : i32
    %dma_wait3A_973 = tpu.memref_slice %arg2[%dma_wait3A_971, %dma_wait3A_972] : memref<4096x128xf32, #tpu.memory_space<hbm>> -> memref<4096x128xf32, #tpu.memory_space<hbm>>
    tpu.wait_indirect_dma semaphore(%arg10 : memref<!tpu.dma_semaphore, #tpu.memory_space<semaphore_mem>>) src(%dma_wait3A_973 : memref<4096x128xf32, #tpu.memory_space<hbm>>) dst(%dma_wait3A_967 : memref<128x128xf32, #tpu.memory_space<vmem>>)
    %add3A_974 = arith.constant 2432 : i32
    %add3A_975 = arith.addi %mul3A_2, %add3A_974 : i32
    %dma_start3A_976 = arith.constant 3 : i32
    %dma_start3A_977 = arith.constant 0 : i32
    %dma_start3A_978 = arith.constant 0 : i32
    %dma_start3A_979 = tpu.memref_slice %arg6[%dma_start3A_976, %dma_start3A_977, %dma_start3A_978] : memref<4x128x128xf32, #tpu.memory_space<vmem>> -> memref<1x128x128xf32, #tpu.memory_space<vmem>>
    %dma_start3A_980 = tpu.memref_squeeze %dma_start3A_979 : memref<1x128x128xf32, #tpu.memory_space<vmem>> -> memref<128x128xf32, #tpu.memory_space<vmem>>
    %dma_start3A_981 = arith.constant 0 : i32
    %dma_start3A_982 = tpu.memref_slice %arg4[%add3A_975, %dma_start3A_981] : memref<81920x128xf32, #tpu.memory_space<hbm>> -> memref<128x128xf32, #tpu.memory_space<hbm>>
    %dma_start3A_983 = arith.constant 0 : i32
    %dma_start3A_984 = tpu.memref_slice %arg4[%add3A_975, %dma_start3A_983] : memref<81920x128xf32, #tpu.memory_space<hbm>> -> memref<128x128xf32, #tpu.memory_space<hbm>>
    %dma_start3A_985 = arith.constant 0 : i32
    %dma_start3A_986 = arith.constant 0 : i32
    %dma_start3A_987 = tpu.memref_slice %arg6[%dma_start3A_976, %dma_start3A_985, %dma_start3A_986] : memref<4x128x128xf32, #tpu.memory_space<vmem>> -> memref<1x128x128xf32, #tpu.memory_space<vmem>>
    %dma_start3A_988 = tpu.memref_squeeze %dma_start3A_987 : memref<1x128x128xf32, #tpu.memory_space<vmem>> -> memref<128x128xf32, #tpu.memory_space<vmem>>
    tpu.enqueue_dma source(%dma_start3A_988 : memref<128x128xf32, #tpu.memory_space<vmem>>) target(%dma_start3A_984 : memref<128x128xf32, #tpu.memory_space<hbm>>) target_semaphore(%arg14 : memref<!tpu.dma_semaphore, #tpu.memory_space<semaphore_mem>>)
    %dma_wait3A_989 = arith.constant 0 : i32
    %dma_wait3A_990 = arith.constant 0 : i32
    %dma_wait3A_991 = arith.constant 0 : i32
    %dma_wait3A_992 = tpu.memref_slice %arg6[%dma_wait3A_989, %dma_wait3A_990, %dma_wait3A_991] : memref<4x128x128xf32, #tpu.memory_space<vmem>> -> memref<1x128x128xf32, #tpu.memory_space<vmem>>
    %dma_wait3A_993 = tpu.memref_squeeze %dma_wait3A_992 : memref<1x128x128xf32, #tpu.memory_space<vmem>> -> memref<128x128xf32, #tpu.memory_space<vmem>>
    %dma_wait3A_994 = arith.constant 0 : i32
    %dma_wait3A_995 = tpu.memref_slice %arg4[%add3A_894, %dma_wait3A_994] : memref<81920x128xf32, #tpu.memory_space<hbm>> -> memref<128x128xf32, #tpu.memory_space<hbm>>
    %dma_wait3A_996 = arith.constant 0 : i32
    %dma_wait3A_997 = tpu.memref_slice %arg4[%add3A_894, %dma_wait3A_996] : memref<81920x128xf32, #tpu.memory_space<hbm>> -> memref<128x128xf32, #tpu.memory_space<hbm>>
    %dma_wait3A_998 = arith.constant 0 : i32
    %dma_wait3A_999 = arith.constant 0 : i32
    %dma_wait3A_1000 = tpu.memref_slice %arg6[%dma_wait3A_989, %dma_wait3A_998, %dma_wait3A_999] : memref<4x128x128xf32, #tpu.memory_space<vmem>> -> memref<1x128x128xf32, #tpu.memory_space<vmem>>
    %dma_wait3A_1001 = tpu.memref_squeeze %dma_wait3A_1000 : memref<1x128x128xf32, #tpu.memory_space<vmem>> -> memref<128x128xf32, #tpu.memory_space<vmem>>
    tpu.wait_dma2 semaphore(%arg11 : memref<!tpu.dma_semaphore, #tpu.memory_space<semaphore_mem>>) src(%dma_wait3A_1001 : memref<128x128xf32, #tpu.memory_space<vmem>>) dst(%dma_wait3A_997 : memref<128x128xf32, #tpu.memory_space<hbm>>)
    %dma_wait3A_1002 = arith.constant 1 : i32
    %dma_wait3A_1003 = arith.constant 0 : i32
    %dma_wait3A_1004 = arith.constant 0 : i32
    %dma_wait3A_1005 = tpu.memref_slice %arg6[%dma_wait3A_1002, %dma_wait3A_1003, %dma_wait3A_1004] : memref<4x128x128xf32, #tpu.memory_space<vmem>> -> memref<1x128x128xf32, #tpu.memory_space<vmem>>
    %dma_wait3A_1006 = tpu.memref_squeeze %dma_wait3A_1005 : memref<1x128x128xf32, #tpu.memory_space<vmem>> -> memref<128x128xf32, #tpu.memory_space<vmem>>
    %dma_wait3A_1007 = arith.constant 0 : i32
    %dma_wait3A_1008 = tpu.memref_slice %arg4[%add3A_921, %dma_wait3A_1007] : memref<81920x128xf32, #tpu.memory_space<hbm>> -> memref<128x128xf32, #tpu.memory_space<hbm>>
    %dma_wait3A_1009 = arith.constant 0 : i32
    %dma_wait3A_1010 = tpu.memref_slice %arg4[%add3A_921, %dma_wait3A_1009] : memref<81920x128xf32, #tpu.memory_space<hbm>> -> memref<128x128xf32, #tpu.memory_space<hbm>>
    %dma_wait3A_1011 = arith.constant 0 : i32
    %dma_wait3A_1012 = arith.constant 0 : i32
    %dma_wait3A_1013 = tpu.memref_slice %arg6[%dma_wait3A_1002, %dma_wait3A_1011, %dma_wait3A_1012] : memref<4x128x128xf32, #tpu.memory_space<vmem>> -> memref<1x128x128xf32, #tpu.memory_space<vmem>>
    %dma_wait3A_1014 = tpu.memref_squeeze %dma_wait3A_1013 : memref<1x128x128xf32, #tpu.memory_space<vmem>> -> memref<128x128xf32, #tpu.memory_space<vmem>>
    tpu.wait_dma2 semaphore(%arg12 : memref<!tpu.dma_semaphore, #tpu.memory_space<semaphore_mem>>) src(%dma_wait3A_1014 : memref<128x128xf32, #tpu.memory_space<vmem>>) dst(%dma_wait3A_1010 : memref<128x128xf32, #tpu.memory_space<hbm>>)
    %dma_wait3A_1015 = arith.constant 2 : i32
    %dma_wait3A_1016 = arith.constant 0 : i32
    %dma_wait3A_1017 = arith.constant 0 : i32
    %dma_wait3A_1018 = tpu.memref_slice %arg6[%dma_wait3A_1015, %dma_wait3A_1016, %dma_wait3A_1017] : memref<4x128x128xf32, #tpu.memory_space<vmem>> -> memref<1x128x128xf32, #tpu.memory_space<vmem>>
    %dma_wait3A_1019 = tpu.memref_squeeze %dma_wait3A_1018 : memref<1x128x128xf32, #tpu.memory_space<vmem>> -> memref<128x128xf32, #tpu.memory_space<vmem>>
    %dma_wait3A_1020 = arith.constant 0 : i32
    %dma_wait3A_1021 = tpu.memref_slice %arg4[%add3A_948, %dma_wait3A_1020] : memref<81920x128xf32, #tpu.memory_space<hbm>> -> memref<128x128xf32, #tpu.memory_space<hbm>>
    %dma_wait3A_1022 = arith.constant 0 : i32
    %dma_wait3A_1023 = tpu.memref_slice %arg4[%add3A_948, %dma_wait3A_1022] : memref<81920x128xf32, #tpu.memory_space<hbm>> -> memref<128x128xf32, #tpu.memory_space<hbm>>
    %dma_wait3A_1024 = arith.constant 0 : i32
    %dma_wait3A_1025 = arith.constant 0 : i32
    %dma_wait3A_1026 = tpu.memref_slice %arg6[%dma_wait3A_1015, %dma_wait3A_1024, %dma_wait3A_1025] : memref<4x128x128xf32, #tpu.memory_space<vmem>> -> memref<1x128x128xf32, #tpu.memory_space<vmem>>
    %dma_wait3A_1027 = tpu.memref_squeeze %dma_wait3A_1026 : memref<1x128x128xf32, #tpu.memory_space<vmem>> -> memref<128x128xf32, #tpu.memory_space<vmem>>
    tpu.wait_dma2 semaphore(%arg13 : memref<!tpu.dma_semaphore, #tpu.memory_space<semaphore_mem>>) src(%dma_wait3A_1027 : memref<128x128xf32, #tpu.memory_space<vmem>>) dst(%dma_wait3A_1023 : memref<128x128xf32, #tpu.memory_space<hbm>>)
    %dma_wait3A_1028 = arith.constant 3 : i32
    %dma_wait3A_1029 = arith.constant 0 : i32
    %dma_wait3A_1030 = arith.constant 0 : i32
    %dma_wait3A_1031 = tpu.memref_slice %arg6[%dma_wait3A_1028, %dma_wait3A_1029, %dma_wait3A_1030] : memref<4x128x128xf32, #tpu.memory_space<vmem>> -> memref<1x128x128xf32, #tpu.memory_space<vmem>>
    %dma_wait3A_1032 = tpu.memref_squeeze %dma_wait3A_1031 : memref<1x128x128xf32, #tpu.memory_space<vmem>> -> memref<128x128xf32, #tpu.memory_space<vmem>>
    %dma_wait3A_1033 = arith.constant 0 : i32
    %dma_wait3A_1034 = tpu.memref_slice %arg4[%add3A_975, %dma_wait3A_1033] : memref<81920x128xf32, #tpu.memory_space<hbm>> -> memref<128x128xf32, #tpu.memory_space<hbm>>
    %dma_wait3A_1035 = arith.constant 0 : i32
    %dma_wait3A_1036 = tpu.memref_slice %arg4[%add3A_975, %dma_wait3A_1035] : memref<81920x128xf32, #tpu.memory_space<hbm>> -> memref<128x128xf32, #tpu.memory_space<hbm>>
    %dma_wait3A_1037 = arith.constant 0 : i32
    %dma_wait3A_1038 = arith.constant 0 : i32
    %dma_wait3A_1039 = tpu.memref_slice %arg6[%dma_wait3A_1028, %dma_wait3A_1037, %dma_wait3A_1038] : memref<4x128x128xf32, #tpu.memory_space<vmem>> -> memref<1x128x128xf32, #tpu.memory_space<vmem>>
    %dma_wait3A_1040 = tpu.memref_squeeze %dma_wait3A_1039 : memref<1x128x128xf32, #tpu.memory_space<vmem>> -> memref<128x128xf32, #tpu.memory_space<vmem>>
    tpu.wait_dma2 semaphore(%arg14 : memref<!tpu.dma_semaphore, #tpu.memory_space<semaphore_mem>>) src(%dma_wait3A_1040 : memref<128x128xf32, #tpu.memory_space<vmem>>) dst(%dma_wait3A_1036 : memref<128x128xf32, #tpu.memory_space<hbm>>)
    return
  }
}

</mosaic_0001>

<sc_bundles>
// kernel: _gather_rows.3.cloned.1.call-start
scs
__scs_entry_jumppad:
0x0: {  	(pc) =	sbr.rel $0x88, $3  }
0x1: {  	(tag) =	ssettag $0x0;
	lr =	simm.s32 $0x1  }
0x2: {  	[smem:$0x3F9F] =	sst lr;
	_ =	strace $0xD0000000  }
0x3: {  	_ = 	snop  }
0x4: {  	_ = 	snop  }
0x5: {  	_ = 	snop  }
0x6: {  	_ = 	snop  }
0x7: {  	_ = 	snop  }
__scs_overlays_trampoline_lowered:
0x8: {  	[smem:$0x3FAE] =	sst s0  }
0x9: {  	[smem:$0x3FAF] =	sst s1  }
0xa: {  	[smem:$0x3FB0] =	sst s2  }
0xb: {  	[smem:$0x3FB1] =	sst s3  }
0xc: {  	[smem:$0x3FB2] =	sst s4  }
0xd: {  	[smem:$0x3FB3] =	sst s5  }
0xe: {  	[smem:$0x3FB4] =	sst s6  }
0xf: {  	[smem:$0x3FB5] =	sst s7  }
0x10: {  	[smem:$0x3FB6] =	sst s8  }
0x11: {  	[smem:$0x3FB7] =	sst s9;
	s0 =	simm.s32 @!p0 $0x0  }
0x12: {  	s1 =	sld [smem:$0x3F9D];
	s0 =	simm.s32 @p0 $0x1  }
0x13: {  	[smem:$0x3FB8] =	sst s0;
	s0 =	simm.s32 @!p1 $0x0  }
0x14: {  	s2 =	sld [smem:$0x3F9C];
	s0 =	simm.s32 @p1 $0x1  }
0x15: {  	[smem:$0x3FB9] =	sst s0;
	s0 =	simm.s32 @!p2 $0x0  }
0x16: {  	s3 =	sld [smem:$0x3FDB];
	s0 =	simm.s32 @p2 $0x1  }
0x17: {  	s4 =	simm.s32 $0x1BF5;
	[smem:$0x3FBB] =	sst s0  }
0x18: {  	s0 =	sld [smem:$0x3F9E];
	_ =	swait.ge [sflag:s4], $0x0  }
0x19: {  	s7 =	sld [smem:$0x3F9F]  }
0x1a: {  	s8 =	sadd.s32 $0xFFFFE003, lr  }
0x1b: {  	s9 =	sadd.s32 $0xFFFFFEF7, lr;
	s5 =	simm.s32 $0xFFFFFFFF;
	p2 =	slt.u32 s8, $0xFFFFF086  }
0x1c: {  	p1 =	slt.u32 s9, $0xF7A;
	s5 =	simm.s32 @!p2 $0x0  }
0x1d: {  	s5 =	simm.s32 @p1 $0x1;
	p0 =	seq.s32 s7, s2  }
0x1e: {  	s7 =	smul.u32 @!p0 $0xF7A, s2;
	p2 =	seq.s32 @!p0 s5, $0x0  }
0x1f: {  	s9 =	smul.u32 $0xF7A, s1;
	s8 =	simm.s32 @!p0 $0x1BF5;
	p2 =	por !p2, p0  }
0x20: {  	[sflag:s8] =	ssyncset.s32 @!p0 $0xFFFFF086;
	s6 =	sadd.s32 @!p0 s3, s7;
	s7 =	simm.s32 @!p0 $0x108  }
0x21: {  	s3 =	sadd.s32 s3, s9;
	s6 =	sadd.s32 @!p0 $0x88, s6;
	s7 =	simm.s32 @p2 $0x1082  }
0x22: {  	[simem:s7], [sflag:s8] =	dma.local @!p0 [hbm:s6], $0xF7A  }
0x23: {  	s9 =	sor.u32 $0xD0000000, s2;
	s6 =	simm.s32 $0x108;
	_ =	swait.ge @!p0 [sflag:s8], $0x0  }
0x24: {  	s3 =	sadd.s32 $0x88, s3;
	s6 =	simm.s32 @!p1 $0x1082;
	[sflag:s4] =	ssyncset.s32 $0xFFFFF086  }
0x25: {  	[simem:s6], [sflag:s4] =	dma.local [hbm:s3], $0xF7A  }
0x26: {  	[smem:$0x3F9F] =	sst s1;
	(tag) =	ssettag s2;
	_ =	strace s9  }
0x27: {  	s1 =	sld [smem:$0x3FAF]  }
0x28: {  	s2 =	sld [smem:$0x3FB0]  }
0x29: {  	s4 =	sld [smem:$0x3FB2]  }
0x2a: {  	p0 =	seq.s32 s5, $0x0;
	s5 =	sld [smem:$0x3FB3]  }
0x2b: {  	s6 =	sld [smem:$0x3FB4]  }
0x2c: {  	s7 =	sld [smem:$0x3FB5]  }
0x2d: {  	s3 =	simm.s32 $0x108;
	s8 =	sld [smem:$0x3FB6]  }
0x2e: {  	s3 =	simm.s32 @!p0 $0x1082;
	s9 =	sld [smem:$0x3FB7]  }
0x2f: {  	lr =	sadd.s32 s0, s3;
	s0 =	sld [smem:$0x3FAE]  }
0x30: {  	s3 =	sld [smem:$0x3FB1]  }
0x31: {  	[smem:$0x3FBA] =	sst s10  }
0x32: {  	s10 =	sld [smem:$0x3FB8];
	_ =	sdelay $0x3  }
0x33: {  	p0 =	seq.s32 s10, $0x1;
	s10 =	sld [smem:$0x3FBA];
	_ =	sdelay $0x3  }
0x34: {  	[smem:$0x3FBA] =	sst s10  }
0x35: {  	s10 =	sld [smem:$0x3FB9];
	_ =	sdelay $0x3  }
0x36: {  	p1 =	seq.s32 s10, $0x1;
	s10 =	sld [smem:$0x3FBA];
	_ =	sdelay $0x3  }
0x37: {  	[smem:$0x3FBA] =	sst s10  }
0x38: {  	s10 =	sld [smem:$0x3FBB]  }
0x39: {  	_ = 	snop;
	(pc) =	sbr.ind lr, $3  }
0x3a: {  	_ = 	snop  }
0x3b: {  	_ = 	snop  }
0x3c: {  	p2 =	seq.s32 s10, $0x1;
	s10 =	sld [smem:$0x3FBA]  }
0x3d: {  	_ =	shalt  }
0x3e: {  	_ =	shalt  }
0x3f: {  	_ =	shalt  }
0x40: {  	_ =	shalt  }
0x41: {  	_ =	shalt  }
0x42: {  	_ =	shalt  }
0x43: {  	_ =	shalt  }
0x44: {  	_ =	shalt  }
0x45: {  	_ =	shalt  }
0x46: {  	_ =	shalt  }
0x47: {  	_ =	shalt  }
0x48: {  	_ =	shalt  }
0x49: {  	_ =	shalt  }
0x4a: {  	_ =	shalt  }
0x4b: {  	_ =	shalt  }
0x4c: {  	_ =	shalt  }
0x4d: {  	_ =	shalt  }
0x4e: {  	_ =	shalt  }
0x4f: {  	_ =	shalt  }
0x50: {  	_ =	shalt  }
0x51: {  	_ =	shalt  }
0x52: {  	_ =	shalt  }
0x53: {  	_ =	shalt  }
0x54: {  	_ =	shalt  }
0x55: {  	_ =	shalt  }
0x56: {  	_ =	shalt  }
0x57: {  	_ =	shalt  }
0x58: {  	_ =	shalt  }
0x59: {  	_ =	shalt  }
0x5a: {  	_ =	shalt  }
0x5b: {  	_ =	shalt  }
0x5c: {  	_ =	shalt  }
0x5d: {  	_ =	shalt  }
0x5e: {  	_ =	shalt  }
0x5f: {  	_ =	shalt  }
0x60: {  	_ =	shalt  }
0x61: {  	_ =	shalt  }
0x62: {  	_ =	shalt  }
0x63: {  	_ =	shalt  }
0x64: {  	_ =	shalt  }
0x65: {  	_ =	shalt  }
0x66: {  	_ =	shalt  }
0x67: {  	_ =	shalt  }
0x68: {  	_ =	shalt  }
0x69: {  	_ =	shalt  }
0x6a: {  	_ =	shalt  }
0x6b: {  	_ =	shalt  }
0x6c: {  	_ =	shalt  }
0x6d: {  	_ =	shalt  }
0x6e: {  	_ =	shalt  }
0x6f: {  	_ =	shalt  }
0x70: {  	_ =	shalt  }
0x71: {  	_ =	shalt  }
0x72: {  	_ =	shalt  }
0x73: {  	_ =	shalt  }
0x74: {  	_ =	shalt  }
0x75: {  	_ =	shalt  }
0x76: {  	_ =	shalt  }
0x77: {  	_ =	shalt  }
0x78: {  	_ =	shalt  }
0x79: {  	_ =	shalt  }
0x7a: {  	_ =	shalt  }
0x7b: {  	_ =	shalt  }
0x7c: {  	_ =	shalt  }
0x7d: {  	_ =	shalt  }
0x7e: {  	_ =	shalt  }
0x7f: {  	_ =	shalt  }
0x80: {  	_ =	shalt  }
0x81: {  	_ =	shalt  }
0x82: {  	_ =	shalt  }
0x83: {  	_ =	shalt  }
0x84: {  	_ =	shalt  }
0x85: {  	_ =	shalt  }
0x86: {  	_ =	shalt  }
0x87: {  	_ =	shalt  }
.Lfunc_end0:
.L_simem_size_0:
called_computation_lowered:
.L_overlay_start_0:
0x88: {  	s2 =	sld [smem:$0x3FD9]  }
0x89: {  	s3 =	sld [smem:$0x3FFE];
	_ =	sdelay $0x1  }
0x8a: {  	s1 =	srdreg.scid  }
0x8b: {  	s0 =	sand.u32 $0x1, s1  }
0x8c: {  	s17 =	sshll.u32 s0, $0xA;
	s2 =	sadd.s32 s3, s2  }
0x8d: {  	s2 =	sadd.s32 s2, s17  }
0x8e: {  	[smem:$0x3FC6] =	sst s2  }
0x8f: {  	_ = 	snop  }
0x90: {  	s2 =	sld [smem:$0x3FC9]  }
0x91: {  	s18 =	sld [smem:$0x3FD0];
	(tm) =	ssettm $0x1  }
0x92: {  	s4 =	sld [smem:$0x3FFB];
	_ =	sdelay $0x3  }
0x93: {  	_ =	strace s4  }
0x94: {  	s4 =	sld [smem:$0x3FFC];
	_ =	sdelay $0x3  }
0x95: {  	_ =	strace s4  }
0x96: {  	s4 =	sld [smem:$0x3FFD];
	_ =	sdelay $0x3  }
0x97: {  	_ =	strace s4  }
0x98: {  	_ =	strace $0x8FFFFFFF  }
0x99: {  	s19 =	sld [smem:$0x3FDB];
	_ =	sdelay $0x1  }
0x9a: {  	s5 =	simm.s32 $_scs_section_size  }
0x9b: {  	s6 =	simm.s32 $_size__tile_overlayer_lowered;
	s7 =	simm.s32 $_tile_overlayer_lowered  }
0x9c: {  	s22 =	simm.s32 $0x1BFF;
	s21 =	sshll.u32 s7, $0x1;
	s4 =	sadd.s32 s5, s19  }
0x9d: {  	s8 =	simm.s32 $0x0;
	s20 =	sshll.u32 s6, $0x1;
	s6 =	sadd.s32 s21, s4  }
0x9e: {  	[timem:s8], [sflag:s22] =	dma.local [hbm:s6], s20  }
0x9f: {  	_ =	swait.ge [sflag:s22], s20  }
0xa0: {  	s5 =	ssub.s32 $0x0, s20;
	[sflag:s22] =	ssyncset.done $0x0  }
0xa1: {  	[sflag:s22] =	ssyncadd.s32 s5;
	_ =	sdelay $0x1  }
0xa2: {  	s23 =	simm.s32 $0x1B8B  }
0xa3: {  	_ =	swait.ge [sflag:s23], $0x1  }
0xa4: {  	[sflag:s23] =	ssyncset.done $0x0  }
0xa5: {  	s25 =	simm.s32 $0x1B8E;
	s24 =	sld [smem:$0x3FFE];
	[sflag:s23] =	ssyncadd.s32 $0xFFFFFFFF  }
0xa6: {  	s26 =	simm.s32 $execute0_lowered;
	[smem:$0x3FD2] =	sst s25  }
0xa7: {  	s6 =	sshll.u32 s26, $0x1;
	_ =	strace $0x80000046;
	[dreg:$0x1] =	wrdreg $0xFFFFFFFF  }
0xa8: {  	s28 =	simm.s32 $_size_execute0_lowered;
	s4 =	sadd.s32 s4, s6;
	[dreg:$0x0] =	wrdreg $0x0  }
0xa9: {  	s6 =	sshll.u32 s28, $0x1;
	[dreg:$0x2] =	wrdreg s4  }
0xaa: {  	[dreg:$0x3] =	wrdreg s6  }
0xab: {  	[dreg:$0x4] =	wrdreg $0xC0  }
0xac: {  	_ =	task [dreg:s8], $0x5FFFF  }
0xad: {  	[dreg:$0x1] =	wrdreg $0xFFFFFFFF  }
0xae: {  	[dreg:$0x0] =	wrdreg $0x60  }
0xaf: {  	[dreg:$0x2] =	wrdreg s2  }
0xb0: {  	[dreg:$0x3] =	wrdreg s24  }
0xb1: {  	[dreg:$0x4] =	wrdreg s18  }
0xb2: {  	[dreg:$0x5] =	wrdreg $0x9  }
0xb3: {  	_ =	task.clear_ibuf [dreg:s8], $0x6FFFF;
	_ =	strace $0x90000046  }
0xb4: {  	s29 =	simm.s32 $0x9;
	_ =	strace $0x80000048  }
0xb5: {  	_ =	swait.ge [sflag:s29], $0x1  }
0xb6: {  	[sflag:s29] =	ssyncadd.s32 $0xFFFFFFFF  }
0xb7: {  	_ =	strace $0x90000048  }
0xb8: {  	_ =	sfence  }
0xb9: {  	s30 =	sld [smem:$0x0];
	_ =	sdelay $0x2  }
0xba: {  	s31 =	sshll.u32 s1, $0xD;
	s1 =	sshrl.u32 s1, $0x2  }
0xbb: {  	s3 =	sand.u32 $0x4000, s31;
	s1 =	sadd.s32 s1, s30  }
0xbc: {  	s0 =	sor.u32 s3, s0;
	s1 =	sshll.u32 s1, $0x11  }
0xbd: {  	s0 =	sor.u32 s1, s0  }
0xbe: {  	s0 =	sadd.s32 $0x8F2B, s0  }
0xbf: {  	[sflag:s0] =	ssyncadd.remote.s32 $0x1  }
0xc0: {  	_ =	sfence.sel $0xFFFF  }
0xc1: {  	[dreg:$0x0] =	wrdreg $0xFFFFFFFF;
	(pc) =	sbr.abs _section_cstart, $3  }
0xc2: {  	[dreg:$0x1] =	wrdreg $0xFFFFFFFF  }
0xc3: {  	_ =	task.clear_ibuf [dreg:s8], $0x2FFFF;
	_ =	strace $0x9FFFFFFF  }
0xc4: {  	(tm) =	ssettm $0x7FFFFFFF  }
0xc5: {  	_ =	shalt  }
tec
execute0_lowered:
.L_overlay_start_1:
0x0: {  	(tag) =	ssettag $0x1  }
0x1: {  	s0 =	srdreg.scid;
	s17 =	stileid.u32  }
0x2: {  	s0 =	sand.u32 $0x1, s0;
	s2 =	sshll.u32 s17, $0x1  }
0x3: {  	s3 =	rddreg [dreg:$0x0];
	s5 =	sor.u32 s0, s2  }
0x4: {  	s1 =	rddreg [dreg:$0x1];
	s6 =	smul.u32 $0x180, s5  }
0x5: {  	s4 =	rddreg [dreg:$0x2];
	s2 =	simm.s32 $0x0;
	s7 =	smul.u32 $0xA000, s5  }
0x6: {  	[smem:$0x7FF] =	sst s2;
	s1 =	sadd.s32 s6, s1  }
0x7: {  	s5 =	smul.u32 $0x50000, s5;
	s25 =	sadd.s32 s4, s7;
	s1 =	sadd.s32 $0x400, s1  }
0x8: {  	_ =	strace $0x80000047;
	s20 =	sadd.s32 $0x800, s25;
	[dreg:$0x4] =	wrdreg s1  }
0x9: {  	s5 =	sshrl.u32 s5, $0x3;
	s21 =	sadd.s32 $0x1000, s25;
	[dreg:$0x5] =	wrdreg s20  }
0xa: {  	s22 =	sadd.s32 $0x1800, s25;
	s4 =	sadd.s32 s4, s5;
	[dreg:$0x6] =	wrdreg s21  }
0xb: {  	[dreg:$0x7] =	wrdreg s22;
	s23 =	sadd.s32 $0x2000, s4  }
0xc: {  	s24 =	sadd.s32 $0x2800, s4;
	[dreg:$0x8] =	wrdreg s23  }
0xd: {  	s31 =	simm.s32 $0x9;
	s26 =	sadd.s32 $0x3000, s4;
	[dreg:$0x9] =	wrdreg s24  }
0xe: {  	s30 =	simm.s32 $0x480;
	s5 =	sadd.s32 $0x3800, s4;
	[dreg:$0xa] =	wrdreg s26  }
0xf: {  	s29 =	simm.s32 $0x500;
	s6 =	sadd.s32 $0x4000, s4;
	[dreg:$0xb] =	wrdreg s5  }
0x10: {  	s28 =	simm.s32 $0x580;
	s7 =	sadd.s32 $0x4800, s4;
	[dreg:$0xc] =	wrdreg s6  }
0x11: {  	p0 =	por $0x0, $0x0;
	s8 =	sadd.s32 $0x5000, s4;
	[dreg:$0xd] =	wrdreg s7  }
0x12: {  	s0 =	ssub.s32 $0x2, s0;
	s9 =	sadd.s32 $0x5800, s4;
	[dreg:$0xe] =	wrdreg s8  }
0x13: {  	s16 =	sshrl.u32 s0, $0x1;
	s10 =	sadd.s32 $0x6000, s4;
	[dreg:$0xf] =	wrdreg s9  }
0x14: {  	s0 =	ssub.s32 s0, s16;
	s11 =	sadd.s32 $0x6800, s4;
	[dreg:$0x10] =	wrdreg s10  }
0x15: {  	s16 =	simm.s32 $0x2;
	s12 =	sadd.s32 $0x7000, s4;
	[dreg:$0x11] =	wrdreg s11  }
0x16: {  	s0 =	smax.u32 s0, $0x1;
	s13 =	sadd.s32 $0x7800, s4;
	[dreg:$0x12] =	wrdreg s12  }
0x17: {  	p1 =	sne.s32 s0, $0x1;
	s14 =	sadd.s32 $0x8000, s4;
	[dreg:$0x13] =	wrdreg s13  }
0x18: {  	s15 =	sadd.s32 $0x8800, s4;
	s18 =	sadd.s32 $0x9000, s4;
	[dreg:$0x14] =	wrdreg s14  }
0x19: {  	s19 =	sadd.s32 $0x9800, s4;
	s20 =	simm.s32 $0x100;
	[dreg:$0x15] =	wrdreg s15  }
0x1a: {  	s21 =	simm.s32 $0x180;
	s4 =	simm.s32 $0xCC00;
	[dreg:$0x16] =	wrdreg s18  }
0x1b: {  	s22 =	simm.s32 $0x200;
	s1 =	sadd.s32 $0xFFFFFFFF, s0;
	[dreg:$0x17] =	wrdreg s19  }
0x1c: {  	s12 =	simm.s32 $0x80;
	s11 =	simm.s32 $0xC00;
	[dreg:$0x18] =	wrdreg s20  }
0x1d: {  	s10 =	simm.s32 $0x4C00;
	s8 =	simm.s32 $0x8C00;
	[dreg:$0x19] =	wrdreg s21  }
0x1e: {  	s15 =	simm.s32 $0x1;
	s5 =	simm.s32 $0x5;
	[dreg:$0x1a] =	wrdreg s22  }
0x1f: {  	s23 =	simm.s32 $0x280;
	s6 =	simm.s32 $0x6;
	s14 =	simm.s32 $0x3  }
0x20: {  	s7 =	simm.s32 $0x7;
	s24 =	simm.s32 $0x300;
	s13 =	simm.s32 $0x4  }
.Ltmp0:
0x21: {  	s26 =	simm.s32 $0x380;
	s0 =	rddreg [dreg:$0x4];
	(pc) =	sbr.rel @!p1 .LBB2_1-.Ltmp0, $4  }
0x22: {  	s9 =	simm.s32 $0x8;
	s22 =	simm.s32 $0x780;
	[dreg:$0x1b] =	wrdreg s23  }
0x23: {  	s21 =	simm.s32 $0x800;
	s20 =	simm.s32 $0x880;
	[dreg:$0x1c] =	wrdreg s24  }
0x24: {  	s19 =	simm.s32 $0x900;
	s18 =	simm.s32 $0x980;
	[dreg:$0x1d] =	wrdreg s26  }
0x25: {  	s26 =	simm.s32 $0x600;
	s24 =	simm.s32 $0x680;
	s23 =	simm.s32 $0x700  }
0x26: {  	[tilespmem:s2], [sflag:$0x9] =	stream.linear.gather [hbm4b:s0+s2], $0xA00, $0x38;
	[tilespmem:$0x10C00] =	vst v63  }
0x27: {  	_ =	swait.ge [sflag:s31], $0xA00  }
0x28: {  	[sflag:s31] =	ssyncset.done $0x0  }
0x29: {  	[sflag:s31] =	ssyncadd.s32 $0xFFFFF600  }
0x2a: {  	[tilespmem:s11], [sflag:$0x1] =	stream.indirect.gather [hbm4b:s3+s12], $0x80, s2, s12, $0xb8;
	[tilespmem:$0x10C00] =	vst v63  }
0x2b: {  	_ = 	snop  }
0x2c: {  	[tilespmem:s10], [sflag:$0x2] =	stream.indirect.gather [hbm4b:s3+s12], $0x80, s12, s12, $0xb8;
	[tilespmem:$0x10C00] =	vst v63  }
0x2d: {  	s0 =	rddreg [dreg:$0x18]  }
0x2e: {  	[tilespmem:s8], [sflag:$0x3] =	stream.indirect.gather [hbm4b:s3+s12], $0x80, s0, s12, $0xb8;
	[tilespmem:$0x10C00] =	vst v63  }
0x2f: {  	s17 =	smov.u32 s1;
	s1 =	rddreg [dreg:$0x19]  }
0x30: {  	[tilespmem:s4], [sflag:$0x4] =	stream.indirect.gather [hbm4b:s3+s12], $0x80, s1, s12, $0xb8;
	[tilespmem:$0x10C00] =	vst v63  }
0x31: {  	_ =	swait.ge [sflag:s15], $0x4000  }
0x32: {  	[sflag:s15] =	ssyncset.done $0x0  }
0x33: {  	[sflag:s15] =	ssyncadd.s32 $0xFFFFC000  }
0x34: {  	[hbm4b:s25+s2] =	stream.linear.scatter [tilespmem:s11], [sflag:$0x5], $0x4000, $0x38;
	[tilespmem:$0x10C00] =	vst v63  }
0x35: {  	_ =	swait.ge [sflag:s5], $0x4000  }
0x36: {  	[sflag:s5] =	ssyncset.done $0x0  }
0x37: {  	s1 =	rddreg [dreg:$0x1a];
	[sflag:s5] =	ssyncadd.s32 $0xFFFFC000  }
0x38: {  	[tilespmem:s11], [sflag:$0x1] =	stream.indirect.gather [hbm4b:s3+s12], $0x80, s1, s12, $0xb8;
	[tilespmem:$0x10C00] =	vst v63  }
0x39: {  	_ =	swait.ge [sflag:s16], $0x4000  }
0x3a: {  	[sflag:s16] =	ssyncset.done $0x0  }
0x3b: {  	s1 =	rddreg [dreg:$0x5];
	[sflag:s16] =	ssyncadd.s32 $0xFFFFC000  }
0x3c: {  	[hbm4b:s1+s2] =	stream.linear.scatter [tilespmem:s10], [sflag:$0x6], $0x4000, $0x38;
	[tilespmem:$0x10C00] =	vst v63  }
0x3d: {  	_ =	swait.ge [sflag:s6], $0x4000  }
0x3e: {  	[sflag:s6] =	ssyncset.done $0x0  }
0x3f: {  	s1 =	rddreg [dreg:$0x1b];
	[sflag:s6] =	ssyncadd.s32 $0xFFFFC000  }
0x40: {  	[tilespmem:s10], [sflag:$0x2] =	stream.indirect.gather [hbm4b:s3+s12], $0x80, s1, s12, $0xb8;
	[tilespmem:$0x10C00] =	vst v63  }
0x41: {  	_ =	swait.ge [sflag:s14], $0x4000  }
0x42: {  	[sflag:s14] =	ssyncset.done $0x0  }
0x43: {  	s1 =	rddreg [dreg:$0x6];
	[sflag:s14] =	ssyncadd.s32 $0xFFFFC000  }
0x44: {  	[hbm4b:s1+s2] =	stream.linear.scatter [tilespmem:s8], [sflag:$0x7], $0x4000, $0x38;
	[tilespmem:$0x10C00] =	vst v63  }
0x45: {  	_ =	swait.ge [sflag:s7], $0x4000  }
0x46: {  	[sflag:s7] =	ssyncset.done $0x0  }
0x47: {  	s1 =	rddreg [dreg:$0x1c];
	[sflag:s7] =	ssyncadd.s32 $0xFFFFC000  }
0x48: {  	[tilespmem:s8], [sflag:$0x3] =	stream.indirect.gather [hbm4b:s3+s12], $0x80, s1, s12, $0xb8;
	[tilespmem:$0x10C00] =	vst v63  }
0x49: {  	_ =	swait.ge [sflag:s13], $0x4000  }
0x4a: {  	[sflag:s13] =	ssyncset.done $0x0  }
0x4b: {  	s1 =	rddreg [dreg:$0x7];
	[sflag:s13] =	ssyncadd.s32 $0xFFFFC000  }
0x4c: {  	[hbm4b:s1+s2] =	stream.linear.scatter [tilespmem:s4], [sflag:$0x8], $0x4000, $0x38;
	[tilespmem:$0x10C00] =	vst v63  }
0x4d: {  	_ =	swait.ge [sflag:s9], $0x4000  }
0x4e: {  	[sflag:s9] =	ssyncset.done $0x0  }
0x4f: {  	s1 =	rddreg [dreg:$0x1d];
	[sflag:s9] =	ssyncadd.s32 $0xFFFFC000  }
0x50: {  	[tilespmem:s4], [sflag:$0x4] =	stream.indirect.gather [hbm4b:s3+s12], $0x80, s1, s12, $0xb8;
	[tilespmem:$0x10C00] =	vst v63  }
0x51: {  	_ =	swait.ge [sflag:s15], $0x4000  }
0x52: {  	[sflag:s15] =	ssyncset.done $0x0  }
0x53: {  	s1 =	rddreg [dreg:$0x8];
	[sflag:s15] =	ssyncadd.s32 $0xFFFFC000  }
0x54: {  	[hbm4b:s1+s2] =	stream.linear.scatter [tilespmem:s11], [sflag:$0x5], $0x4000, $0x38;
	[tilespmem:$0x10C00] =	vst v63  }
0x55: {  	_ =	swait.ge [sflag:s5], $0x4000  }
0x56: {  	[sflag:s5] =	ssyncset.done $0x0  }
0x57: {  	s1 =	simm.s32 $0x400;
	[sflag:s5] =	ssyncadd.s32 $0xFFFFC000  }
0x58: {  	[tilespmem:s11], [sflag:$0x1] =	stream.indirect.gather [hbm4b:s3+s12], $0x80, s1, s12, $0xb8;
	[tilespmem:$0x10C00] =	vst v63  }
0x59: {  	_ =	swait.ge [sflag:s16], $0x4000  }
0x5a: {  	[sflag:s16] =	ssyncset.done $0x0  }
0x5b: {  	s1 =	rddreg [dreg:$0x9];
	[sflag:s16] =	ssyncadd.s32 $0xFFFFC000  }
0x5c: {  	[hbm4b:s1+s2] =	stream.linear.scatter [tilespmem:s10], [sflag:$0x6], $0x4000, $0x38;
	[tilespmem:$0x10C00] =	vst v63  }
0x5d: {  	_ =	swait.ge [sflag:s6], $0x4000  }
0x5e: {  	[sflag:s6] =	ssyncset.done $0x0  }
0x5f: {  	[sflag:s6] =	ssyncadd.s32 $0xFFFFC000  }
0x60: {  	[tilespmem:s10], [sflag:$0x2] =	stream.indirect.gather [hbm4b:s3+s12], $0x80, s30, s12, $0xb8;
	[tilespmem:$0x10C00] =	vst v63  }
0x61: {  	_ =	swait.ge [sflag:s14], $0x4000  }
0x62: {  	[sflag:s14] =	ssyncset.done $0x0  }
0x63: {  	s1 =	rddreg [dreg:$0xa];
	[sflag:s14] =	ssyncadd.s32 $0xFFFFC000  }
0x64: {  	[hbm4b:s1+s2] =	stream.linear.scatter [tilespmem:s8], [sflag:$0x7], $0x4000, $0x38;
	[tilespmem:$0x10C00] =	vst v63  }
0x65: {  	_ =	swait.ge [sflag:s7], $0x4000  }
0x66: {  	[sflag:s7] =	ssyncset.done $0x0  }
0x67: {  	[sflag:s7] =	ssyncadd.s32 $0xFFFFC000  }
0x68: {  	[tilespmem:s8], [sflag:$0x3] =	stream.indirect.gather [hbm4b:s3+s12], $0x80, s29, s12, $0xb8;
	[tilespmem:$0x10C00] =	vst v63  }
0x69: {  	_ =	swait.ge [sflag:s13], $0x4000  }
0x6a: {  	[sflag:s13] =	ssyncset.done $0x0  }
0x6b: {  	s1 =	rddreg [dreg:$0xb];
	[sflag:s13] =	ssyncadd.s32 $0xFFFFC000  }
0x6c: {  	[hbm4b:s1+s2] =	stream.linear.scatter [tilespmem:s4], [sflag:$0x8], $0x4000, $0x38;
	[tilespmem:$0x10C00] =	vst v63  }
0x6d: {  	_ =	swait.ge [sflag:s9], $0x4000  }
0x6e: {  	[sflag:s9] =	ssyncset.done $0x0  }
0x6f: {  	[sflag:s9] =	ssyncadd.s32 $0xFFFFC000  }
0x70: {  	[tilespmem:s4], [sflag:$0x4] =	stream.indirect.gather [hbm4b:s3+s12], $0x80, s28, s12, $0xb8;
	[tilespmem:$0x10C00] =	vst v63  }
0x71: {  	_ =	swait.ge [sflag:s15], $0x4000  }
0x72: {  	[sflag:s15] =	ssyncset.done $0x0  }
0x73: {  	s1 =	rddreg [dreg:$0xc];
	[sflag:s15] =	ssyncadd.s32 $0xFFFFC000  }
0x74: {  	[hbm4b:s1+s2] =	stream.linear.scatter [tilespmem:s11], [sflag:$0x5], $0x4000, $0x38;
	[tilespmem:$0x10C00] =	vst v63  }
0x75: {  	_ =	swait.ge [sflag:s5], $0x4000  }
0x76: {  	[sflag:s5] =	ssyncset.done $0x0  }
0x77: {  	[sflag:s5] =	ssyncadd.s32 $0xFFFFC000  }
0x78: {  	[tilespmem:s11], [sflag:$0x1] =	stream.indirect.gather [hbm4b:s3+s12], $0x80, s26, s12, $0xb8;
	[tilespmem:$0x10C00] =	vst v63  }
0x79: {  	_ =	swait.ge [sflag:s16], $0x4000  }
0x7a: {  	[sflag:s16] =	ssyncset.done $0x0  }
0x7b: {  	s1 =	rddreg [dreg:$0xd];
	[sflag:s16] =	ssyncadd.s32 $0xFFFFC000  }
0x7c: {  	[hbm4b:s1+s2] =	stream.linear.scatter [tilespmem:s10], [sflag:$0x6], $0x4000, $0x38;
	[tilespmem:$0x10C00] =	vst v63  }
0x7d: {  	_ =	swait.ge [sflag:s6], $0x4000  }
0x7e: {  	[sflag:s6] =	ssyncset.done $0x0  }
0x7f: {  	[sflag:s6] =	ssyncadd.s32 $0xFFFFC000  }
0x80: {  	[tilespmem:s10], [sflag:$0x2] =	stream.indirect.gather [hbm4b:s3+s12], $0x80, s24, s12, $0xb8;
	[tilespmem:$0x10C00] =	vst v63  }
0x81: {  	_ =	swait.ge [sflag:s14], $0x4000  }
0x82: {  	[sflag:s14] =	ssyncset.done $0x0  }
0x83: {  	s1 =	rddreg [dreg:$0xe];
	[sflag:s14] =	ssyncadd.s32 $0xFFFFC000  }
0x84: {  	[hbm4b:s1+s2] =	stream.linear.scatter [tilespmem:s8], [sflag:$0x7], $0x4000, $0x38;
	[tilespmem:$0x10C00] =	vst v63  }
0x85: {  	_ =	swait.ge [sflag:s7], $0x4000  }
0x86: {  	[sflag:s7] =	ssyncset.done $0x0  }
0x87: {  	[sflag:s7] =	ssyncadd.s32 $0xFFFFC000  }
0x88: {  	[tilespmem:s8], [sflag:$0x3] =	stream.indirect.gather [hbm4b:s3+s12], $0x80, s23, s12, $0xb8;
	[tilespmem:$0x10C00] =	vst v63  }
0x89: {  	_ =	swait.ge [sflag:s13], $0x4000  }
0x8a: {  	[sflag:s13] =	ssyncset.done $0x0  }
0x8b: {  	s1 =	rddreg [dreg:$0xf];
	[sflag:s13] =	ssyncadd.s32 $0xFFFFC000  }
0x8c: {  	[hbm4b:s1+s2] =	stream.linear.scatter [tilespmem:s4], [sflag:$0x8], $0x4000, $0x38;
	[tilespmem:$0x10C00] =	vst v63  }
0x8d: {  	_ =	swait.ge [sflag:s9], $0x4000  }
0x8e: {  	[sflag:s9] =	ssyncset.done $0x0  }
0x8f: {  	[sflag:s9] =	ssyncadd.s32 $0xFFFFC000  }
0x90: {  	[tilespmem:s4], [sflag:$0x4] =	stream.indirect.gather [hbm4b:s3+s12], $0x80, s22, s12, $0xb8;
	[tilespmem:$0x10C00] =	vst v63  }
0x91: {  	_ =	swait.ge [sflag:s15], $0x4000  }
0x92: {  	[sflag:s15] =	ssyncset.done $0x0  }
0x93: {  	s1 =	rddreg [dreg:$0x10];
	[sflag:s15] =	ssyncadd.s32 $0xFFFFC000  }
0x94: {  	[hbm4b:s1+s2] =	stream.linear.scatter [tilespmem:s11], [sflag:$0x5], $0x4000, $0x38;
	[tilespmem:$0x10C00] =	vst v63  }
0x95: {  	_ =	swait.ge [sflag:s5], $0x4000  }
0x96: {  	[sflag:s5] =	ssyncset.done $0x0  }
0x97: {  	[sflag:s5] =	ssyncadd.s32 $0xFFFFC000  }
0x98: {  	[tilespmem:s11], [sflag:$0x1] =	stream.indirect.gather [hbm4b:s3+s12], $0x80, s21, s12, $0xb8;
	[tilespmem:$0x10C00] =	vst v63  }
0x99: {  	_ =	swait.ge [sflag:s16], $0x4000  }
0x9a: {  	[sflag:s16] =	ssyncset.done $0x0  }
0x9b: {  	s1 =	rddreg [dreg:$0x11];
	[sflag:s16] =	ssyncadd.s32 $0xFFFFC000  }
0x9c: {  	[hbm4b:s1+s2] =	stream.linear.scatter [tilespmem:s10], [sflag:$0x6], $0x4000, $0x38;
	[tilespmem:$0x10C00] =	vst v63  }
0x9d: {  	_ =	swait.ge [sflag:s6], $0x4000  }
0x9e: {  	[sflag:s6] =	ssyncset.done $0x0  }
0x9f: {  	[sflag:s6] =	ssyncadd.s32 $0xFFFFC000  }
0xa0: {  	[tilespmem:s10], [sflag:$0x2] =	stream.indirect.gather [hbm4b:s3+s12], $0x80, s20, s12, $0xb8;
	[tilespmem:$0x10C00] =	vst v63  }
0xa1: {  	_ =	swait.ge [sflag:s14], $0x4000  }
0xa2: {  	[sflag:s14] =	ssyncset.done $0x0  }
0xa3: {  	s1 =	rddreg [dreg:$0x12];
	[sflag:s14] =	ssyncadd.s32 $0xFFFFC000  }
0xa4: {  	[hbm4b:s1+s2] =	stream.linear.scatter [tilespmem:s8], [sflag:$0x7], $0x4000, $0x38;
	[tilespmem:$0x10C00] =	vst v63  }
0xa5: {  	_ =	swait.ge [sflag:s7], $0x4000  }
0xa6: {  	[sflag:s7] =	ssyncset.done $0x0  }
0xa7: {  	[sflag:s7] =	ssyncadd.s32 $0xFFFFC000  }
0xa8: {  	[tilespmem:s8], [sflag:$0x3] =	stream.indirect.gather [hbm4b:s3+s12], $0x80, s19, s12, $0xb8;
	[tilespmem:$0x10C00] =	vst v63  }
0xa9: {  	_ =	swait.ge [sflag:s13], $0x4000  }
0xaa: {  	[sflag:s13] =	ssyncset.done $0x0  }
0xab: {  	s1 =	rddreg [dreg:$0x13];
	[sflag:s13] =	ssyncadd.s32 $0xFFFFC000  }
0xac: {  	[hbm4b:s1+s2] =	stream.linear.scatter [tilespmem:s4], [sflag:$0x8], $0x4000, $0x38;
	[tilespmem:$0x10C00] =	vst v63  }
0xad: {  	_ =	swait.ge [sflag:s9], $0x4000  }
0xae: {  	[sflag:s9] =	ssyncset.done $0x0  }
0xaf: {  	[sflag:s9] =	ssyncadd.s32 $0xFFFFC000  }
0xb0: {  	[tilespmem:s4], [sflag:$0x4] =	stream.indirect.gather [hbm4b:s3+s12], $0x80, s18, s12, $0xb8;
	[tilespmem:$0x10C00] =	vst v63  }
0xb1: {  	_ =	swait.ge [sflag:s15], $0x4000  }
0xb2: {  	[sflag:s15] =	ssyncset.done $0x0  }
0xb3: {  	s1 =	rddreg [dreg:$0x14];
	[sflag:s15] =	ssyncadd.s32 $0xFFFFC000  }
0xb4: {  	[hbm4b:s1+s2] =	stream.linear.scatter [tilespmem:s11], [sflag:$0x5], $0x4000, $0x38;
	[tilespmem:$0x10C00] =	vst v63  }
0xb5: {  	_ =	swait.ge [sflag:s16], $0x4000  }
0xb6: {  	[sflag:s16] =	ssyncset.done $0x0  }
0xb7: {  	s1 =	rddreg [dreg:$0x15];
	[sflag:s16] =	ssyncadd.s32 $0xFFFFC000  }
0xb8: {  	[hbm4b:s1+s2] =	stream.linear.scatter [tilespmem:s10], [sflag:$0x6], $0x4000, $0x38;
	[tilespmem:$0x10C00] =	vst v63  }
0xb9: {  	_ =	swait.ge [sflag:s14], $0x4000  }
0xba: {  	[sflag:s14] =	ssyncset.done $0x0  }
0xbb: {  	s1 =	rddreg [dreg:$0x16];
	[sflag:s14] =	ssyncadd.s32 $0xFFFFC000  }
0xbc: {  	[hbm4b:s1+s2] =	stream.linear.scatter [tilespmem:s8], [sflag:$0x7], $0x4000, $0x38;
	[tilespmem:$0x10C00] =	vst v63  }
0xbd: {  	_ =	swait.ge [sflag:s13], $0x4000  }
0xbe: {  	[sflag:s13] =	ssyncset.done $0x0  }
0xbf: {  	s1 =	rddreg [dreg:$0x17];
	[sflag:s13] =	ssyncadd.s32 $0xFFFFC000  }
0xc0: {  	[hbm4b:s1+s2] =	stream.linear.scatter [tilespmem:s4], [sflag:$0x8], $0x4000, $0x38;
	[tilespmem:$0x10C00] =	vst v63  }
0xc1: {  	_ =	swait.ge [sflag:s5], $0x4000  }
0xc2: {  	[sflag:s5] =	ssyncset.done $0x0  }
0xc3: {  	[sflag:s5] =	ssyncadd.s32 $0xFFFFC000  }
0xc4: {  	_ =	swait.ge [sflag:s6], $0x4000  }
0xc5: {  	[sflag:s6] =	ssyncset.done $0x0  }
0xc6: {  	p1 =	sne.s32 s17, $0x1;
	[sflag:s6] =	ssyncadd.s32 $0xFFFFC000  }
.Ltmp1:
0xc7: {  	_ =	swait.ge [sflag:s7], $0x4000;
	(pc) =	sbr.rel @!p1 .LBB2_3-.Ltmp1, $4  }
0xc8: {  	[sflag:s7] =	ssyncset.done $0x0  }
0xc9: {  	[sflag:s7] =	ssyncadd.s32 $0xFFFFC000  }
0xca: {  	p0 =	por $0x1, $0x1;
	_ =	swait.ge [sflag:s9], $0x4000  }
0xcb: {  	s1 =	sadd.s32 $0xFFFFFFFF, s17;
	s0 =	rddreg [dreg:$0x4];
	[sflag:s9] =	ssyncset.done $0x0  }
.LBB2_4:
0xcc: {  	[sflag:s9] =	ssyncadd.s32 $0xFFFFC000  }
0xcd: {  	[tilespmem:s2], [sflag:$0x9] =	stream.linear.gather [hbm4b:s0+s2], $0xA00, $0x38;
	[tilespmem:$0x10C00] =	vst v63  }
0xce: {  	_ =	swait.ge [sflag:s31], $0xA00  }
0xcf: {  	[sflag:s31] =	ssyncset.done $0x0  }
0xd0: {  	[sflag:s31] =	ssyncadd.s32 $0xFFFFF600  }
0xd1: {  	[tilespmem:s11], [sflag:$0x1] =	stream.indirect.gather [hbm4b:s3+s12], $0x80, s2, s12, $0xb8;
	[tilespmem:$0x10C00] =	vst v63  }
0xd2: {  	_ = 	snop  }
0xd3: {  	[tilespmem:s10], [sflag:$0x2] =	stream.indirect.gather [hbm4b:s3+s12], $0x80, s12, s12, $0xb8;
	[tilespmem:$0x10C00] =	vst v63  }
0xd4: {  	s0 =	rddreg [dreg:$0x18]  }
0xd5: {  	[tilespmem:s8], [sflag:$0x3] =	stream.indirect.gather [hbm4b:s3+s12], $0x80, s0, s12, $0xb8;
	[tilespmem:$0x10C00] =	vst v63  }
0xd6: {  	s17 =	rddreg [dreg:$0x19]  }
0xd7: {  	[tilespmem:s4], [sflag:$0x4] =	stream.indirect.gather [hbm4b:s3+s12], $0x80, s17, s12, $0xb8;
	[tilespmem:$0x10C00] =	vst v63  }
0xd8: {  	_ =	swait.ge [sflag:s15], $0x4000  }
0xd9: {  	[sflag:s15] =	ssyncset.done $0x0  }
0xda: {  	[sflag:s15] =	ssyncadd.s32 $0xFFFFC000  }
0xdb: {  	[hbm4b:s25+s2] =	stream.linear.scatter [tilespmem:s11], [sflag:$0x5], $0x4000, $0x38;
	[tilespmem:$0x10C00] =	vst v63  }
0xdc: {  	_ =	swait.ge [sflag:s5], $0x4000  }
0xdd: {  	[sflag:s5] =	ssyncset.done $0x0  }
0xde: {  	s17 =	rddreg [dreg:$0x1a];
	[sflag:s5] =	ssyncadd.s32 $0xFFFFC000  }
0xdf: {  	[tilespmem:s11], [sflag:$0x1] =	stream.indirect.gather [hbm4b:s3+s12], $0x80, s17, s12, $0xb8;
	[tilespmem:$0x10C00] =	vst v63  }
0xe0: {  	_ =	swait.ge [sflag:s16], $0x4000  }
0xe1: {  	[sflag:s16] =	ssyncset.done $0x0  }
0xe2: {  	s17 =	rddreg [dreg:$0x5];
	[sflag:s16] =	ssyncadd.s32 $0xFFFFC000  }
0xe3: {  	[hbm4b:s17+s2] =	stream.linear.scatter [tilespmem:s10], [sflag:$0x6], $0x4000, $0x38;
	[tilespmem:$0x10C00] =	vst v63  }
0xe4: {  	_ =	swait.ge [sflag:s6], $0x4000  }
0xe5: {  	[sflag:s6] =	ssyncset.done $0x0  }
0xe6: {  	s17 =	rddreg [dreg:$0x1b];
	[sflag:s6] =	ssyncadd.s32 $0xFFFFC000  }
0xe7: {  	[tilespmem:s10], [sflag:$0x2] =	stream.indirect.gather [hbm4b:s3+s12], $0x80, s17, s12, $0xb8;
	[tilespmem:$0x10C00] =	vst v63  }
0xe8: {  	_ =	swait.ge [sflag:s14], $0x4000  }
0xe9: {  	[sflag:s14] =	ssyncset.done $0x0  }
0xea: {  	s17 =	rddreg [dreg:$0x6];
	[sflag:s14] =	ssyncadd.s32 $0xFFFFC000  }
0xeb: {  	[hbm4b:s17+s2] =	stream.linear.scatter [tilespmem:s8], [sflag:$0x7], $0x4000, $0x38;
	[tilespmem:$0x10C00] =	vst v63  }
0xec: {  	_ =	swait.ge [sflag:s7], $0x4000  }
0xed: {  	[sflag:s7] =	ssyncset.done $0x0  }
0xee: {  	s17 =	rddreg [dreg:$0x1c];
	[sflag:s7] =	ssyncadd.s32 $0xFFFFC000  }
0xef: {  	[tilespmem:s8], [sflag:$0x3] =	stream.indirect.gather [hbm4b:s3+s12], $0x80, s17, s12, $0xb8;
	[tilespmem:$0x10C00] =	vst v63  }
0xf0: {  	_ =	swait.ge [sflag:s13], $0x4000  }
0xf1: {  	[sflag:s13] =	ssyncset.done $0x0  }
0xf2: {  	s17 =	rddreg [dreg:$0x7];
	[sflag:s13] =	ssyncadd.s32 $0xFFFFC000  }
0xf3: {  	[hbm4b:s17+s2] =	stream.linear.scatter [tilespmem:s4], [sflag:$0x8], $0x4000, $0x38;
	[tilespmem:$0x10C00] =	vst v63  }
0xf4: {  	_ =	swait.ge [sflag:s9], $0x4000  }
0xf5: {  	[sflag:s9] =	ssyncset.done $0x0  }
0xf6: {  	s17 =	rddreg [dreg:$0x1d];
	[sflag:s9] =	ssyncadd.s32 $0xFFFFC000  }
0xf7: {  	[tilespmem:s4], [sflag:$0x4] =	stream.indirect.gather [hbm4b:s3+s12], $0x80, s17, s12, $0xb8;
	[tilespmem:$0x10C00] =	vst v63  }
0xf8: {  	_ =	swait.ge [sflag:s15], $0x4000  }
0xf9: {  	[sflag:s15] =	ssyncset.done $0x0  }
0xfa: {  	s17 =	rddreg [dreg:$0x8];
	[sflag:s15] =	ssyncadd.s32 $0xFFFFC000  }
0xfb: {  	[hbm4b:s17+s2] =	stream.linear.scatter [tilespmem:s11], [sflag:$0x5], $0x4000, $0x38;
	[tilespmem:$0x10C00] =	vst v63  }
0xfc: {  	_ =	swait.ge [sflag:s5], $0x4000  }
0xfd: {  	[sflag:s5] =	ssyncset.done $0x0  }
0xfe: {  	s17 =	simm.s32 $0x400;
	[sflag:s5] =	ssyncadd.s32 $0xFFFFC000  }
0xff: {  	[tilespmem:s11], [sflag:$0x1] =	stream.indirect.gather [hbm4b:s3+s12], $0x80, s17, s12, $0xb8;
	[tilespmem:$0x10C00] =	vst v63  }
0x100: {  	_ =	swait.ge [sflag:s16], $0x4000  }
0x101: {  	[sflag:s16] =	ssyncset.done $0x0  }
0x102: {  	s17 =	rddreg [dreg:$0x9];
	[sflag:s16] =	ssyncadd.s32 $0xFFFFC000  }
0x103: {  	[hbm4b:s17+s2] =	stream.linear.scatter [tilespmem:s10], [sflag:$0x6], $0x4000, $0x38;
	[tilespmem:$0x10C00] =	vst v63  }
0x104: {  	_ =	swait.ge [sflag:s6], $0x4000  }
0x105: {  	[sflag:s6] =	ssyncset.done $0x0  }
0x106: {  	[sflag:s6] =	ssyncadd.s32 $0xFFFFC000  }
0x107: {  	[tilespmem:s10], [sflag:$0x2] =	stream.indirect.gather [hbm4b:s3+s12], $0x80, s30, s12, $0xb8;
	[tilespmem:$0x10C00] =	vst v63  }
0x108: {  	_ =	swait.ge [sflag:s14], $0x4000  }
0x109: {  	[sflag:s14] =	ssyncset.done $0x0  }
0x10a: {  	s17 =	rddreg [dreg:$0xa];
	[sflag:s14] =	ssyncadd.s32 $0xFFFFC000  }
0x10b: {  	[hbm4b:s17+s2] =	stream.linear.scatter [tilespmem:s8], [sflag:$0x7], $0x4000, $0x38;
	[tilespmem:$0x10C00] =	vst v63  }
0x10c: {  	_ =	swait.ge [sflag:s7], $0x4000  }
0x10d: {  	[sflag:s7] =	ssyncset.done $0x0  }
0x10e: {  	[sflag:s7] =	ssyncadd.s32 $0xFFFFC000  }
0x10f: {  	[tilespmem:s8], [sflag:$0x3] =	stream.indirect.gather [hbm4b:s3+s12], $0x80, s29, s12, $0xb8;
	[tilespmem:$0x10C00] =	vst v63  }
0x110: {  	_ =	swait.ge [sflag:s13], $0x4000  }
0x111: {  	[sflag:s13] =	ssyncset.done $0x0  }
0x112: {  	s17 =	rddreg [dreg:$0xb];
	[sflag:s13] =	ssyncadd.s32 $0xFFFFC000  }
0x113: {  	[hbm4b:s17+s2] =	stream.linear.scatter [tilespmem:s4], [sflag:$0x8], $0x4000, $0x38;
	[tilespmem:$0x10C00] =	vst v63  }
0x114: {  	_ =	swait.ge [sflag:s9], $0x4000  }
0x115: {  	[sflag:s9] =	ssyncset.done $0x0  }
0x116: {  	[sflag:s9] =	ssyncadd.s32 $0xFFFFC000  }
0x117: {  	[tilespmem:s4], [sflag:$0x4] =	stream.indirect.gather [hbm4b:s3+s12], $0x80, s28, s12, $0xb8;
	[tilespmem:$0x10C00] =	vst v63  }
0x118: {  	_ =	swait.ge [sflag:s15], $0x4000  }
0x119: {  	[sflag:s15] =	ssyncset.done $0x0  }
0x11a: {  	s17 =	rddreg [dreg:$0xc];
	[sflag:s15] =	ssyncadd.s32 $0xFFFFC000  }
0x11b: {  	[hbm4b:s17+s2] =	stream.linear.scatter [tilespmem:s11], [sflag:$0x5], $0x4000, $0x38;
	[tilespmem:$0x10C00] =	vst v63  }
0x11c: {  	_ =	swait.ge [sflag:s5], $0x4000  }
0x11d: {  	[sflag:s5] =	ssyncset.done $0x0  }
0x11e: {  	[sflag:s5] =	ssyncadd.s32 $0xFFFFC000  }
0x11f: {  	[tilespmem:s11], [sflag:$0x1] =	stream.indirect.gather [hbm4b:s3+s12], $0x80, s26, s12, $0xb8;
	[tilespmem:$0x10C00] =	vst v63  }
0x120: {  	_ =	swait.ge [sflag:s16], $0x4000  }
0x121: {  	[sflag:s16] =	ssyncset.done $0x0  }
0x122: {  	s17 =	rddreg [dreg:$0xd];
	[sflag:s16] =	ssyncadd.s32 $0xFFFFC000  }
0x123: {  	[hbm4b:s17+s2] =	stream.linear.scatter [tilespmem:s10], [sflag:$0x6], $0x4000, $0x38;
	[tilespmem:$0x10C00] =	vst v63  }
0x124: {  	_ =	swait.ge [sflag:s6], $0x4000  }
0x125: {  	[sflag:s6] =	ssyncset.done $0x0  }
0x126: {  	[sflag:s6] =	ssyncadd.s32 $0xFFFFC000  }
0x127: {  	[tilespmem:s10], [sflag:$0x2] =	stream.indirect.gather [hbm4b:s3+s12], $0x80, s24, s12, $0xb8;
	[tilespmem:$0x10C00] =	vst v63  }
0x128: {  	_ =	swait.ge [sflag:s14], $0x4000  }
0x129: {  	[sflag:s14] =	ssyncset.done $0x0  }
0x12a: {  	s17 =	rddreg [dreg:$0xe];
	[sflag:s14] =	ssyncadd.s32 $0xFFFFC000  }
0x12b: {  	[hbm4b:s17+s2] =	stream.linear.scatter [tilespmem:s8], [sflag:$0x7], $0x4000, $0x38;
	[tilespmem:$0x10C00] =	vst v63  }
0x12c: {  	_ =	swait.ge [sflag:s7], $0x4000  }
0x12d: {  	[sflag:s7] =	ssyncset.done $0x0  }
0x12e: {  	[sflag:s7] =	ssyncadd.s32 $0xFFFFC000  }
0x12f: {  	[tilespmem:s8], [sflag:$0x3] =	stream.indirect.gather [hbm4b:s3+s12], $0x80, s23, s12, $0xb8;
	[tilespmem:$0x10C00] =	vst v63  }
0x130: {  	_ =	swait.ge [sflag:s13], $0x4000  }
0x131: {  	[sflag:s13] =	ssyncset.done $0x0  }
0x132: {  	s17 =	rddreg [dreg:$0xf];
	[sflag:s13] =	ssyncadd.s32 $0xFFFFC000  }
0x133: {  	[hbm4b:s17+s2] =	stream.linear.scatter [tilespmem:s4], [sflag:$0x8], $0x4000, $0x38;
	[tilespmem:$0x10C00] =	vst v63  }
0x134: {  	_ =	swait.ge [sflag:s9], $0x4000  }
0x135: {  	[sflag:s9] =	ssyncset.done $0x0  }
0x136: {  	[sflag:s9] =	ssyncadd.s32 $0xFFFFC000  }
0x137: {  	[tilespmem:s4], [sflag:$0x4] =	stream.indirect.gather [hbm4b:s3+s12], $0x80, s22, s12, $0xb8;
	[tilespmem:$0x10C00] =	vst v63  }
0x138: {  	_ =	swait.ge [sflag:s15], $0x4000  }
0x139: {  	[sflag:s15] =	ssyncset.done $0x0  }
0x13a: {  	s17 =	rddreg [dreg:$0x10];
	[sflag:s15] =	ssyncadd.s32 $0xFFFFC000  }
0x13b: {  	[hbm4b:s17+s2] =	stream.linear.scatter [tilespmem:s11], [sflag:$0x5], $0x4000, $0x38;
	[tilespmem:$0x10C00] =	vst v63  }
0x13c: {  	_ =	swait.ge [sflag:s5], $0x4000  }
0x13d: {  	[sflag:s5] =	ssyncset.done $0x0  }
0x13e: {  	[sflag:s5] =	ssyncadd.s32 $0xFFFFC000  }
0x13f: {  	[tilespmem:s11], [sflag:$0x1] =	stream.indirect.gather [hbm4b:s3+s12], $0x80, s21, s12, $0xb8;
	[tilespmem:$0x10C00] =	vst v63  }
0x140: {  	_ =	swait.ge [sflag:s16], $0x4000  }
0x141: {  	[sflag:s16] =	ssyncset.done $0x0  }
0x142: {  	s17 =	rddreg [dreg:$0x11];
	[sflag:s16] =	ssyncadd.s32 $0xFFFFC000  }
0x143: {  	[hbm4b:s17+s2] =	stream.linear.scatter [tilespmem:s10], [sflag:$0x6], $0x4000, $0x38;
	[tilespmem:$0x10C00] =	vst v63  }
0x144: {  	_ =	swait.ge [sflag:s6], $0x4000  }
0x145: {  	[sflag:s6] =	ssyncset.done $0x0  }
0x146: {  	[sflag:s6] =	ssyncadd.s32 $0xFFFFC000  }
0x147: {  	[tilespmem:s10], [sflag:$0x2] =	stream.indirect.gather [hbm4b:s3+s12], $0x80, s20, s12, $0xb8;
	[tilespmem:$0x10C00] =	vst v63  }
0x148: {  	_ =	swait.ge [sflag:s14], $0x4000  }
0x149: {  	[sflag:s14] =	ssyncset.done $0x0  }
0x14a: {  	s17 =	rddreg [dreg:$0x12];
	[sflag:s14] =	ssyncadd.s32 $0xFFFFC000  }
0x14b: {  	[hbm4b:s17+s2] =	stream.linear.scatter [tilespmem:s8], [sflag:$0x7], $0x4000, $0x38;
	[tilespmem:$0x10C00] =	vst v63  }
0x14c: {  	_ =	swait.ge [sflag:s7], $0x4000  }
0x14d: {  	[sflag:s7] =	ssyncset.done $0x0  }
0x14e: {  	[sflag:s7] =	ssyncadd.s32 $0xFFFFC000  }
0x14f: {  	[tilespmem:s8], [sflag:$0x3] =	stream.indirect.gather [hbm4b:s3+s12], $0x80, s19, s12, $0xb8;
	[tilespmem:$0x10C00] =	vst v63  }
0x150: {  	_ =	swait.ge [sflag:s13], $0x4000  }
0x151: {  	[sflag:s13] =	ssyncset.done $0x0  }
0x152: {  	s17 =	rddreg [dreg:$0x13];
	[sflag:s13] =	ssyncadd.s32 $0xFFFFC000  }
0x153: {  	[hbm4b:s17+s2] =	stream.linear.scatter [tilespmem:s4], [sflag:$0x8], $0x4000, $0x38;
	[tilespmem:$0x10C00] =	vst v63  }
0x154: {  	_ =	swait.ge [sflag:s9], $0x4000  }
0x155: {  	[sflag:s9] =	ssyncset.done $0x0  }
0x156: {  	[sflag:s9] =	ssyncadd.s32 $0xFFFFC000  }
0x157: {  	[tilespmem:s4], [sflag:$0x4] =	stream.indirect.gather [hbm4b:s3+s12], $0x80, s18, s12, $0xb8;
	[tilespmem:$0x10C00] =	vst v63  }
0x158: {  	_ =	swait.ge [sflag:s15], $0x4000  }
0x159: {  	[sflag:s15] =	ssyncset.done $0x0  }
0x15a: {  	s17 =	rddreg [dreg:$0x14];
	[sflag:s15] =	ssyncadd.s32 $0xFFFFC000  }
0x15b: {  	[hbm4b:s17+s2] =	stream.linear.scatter [tilespmem:s11], [sflag:$0x5], $0x4000, $0x38;
	[tilespmem:$0x10C00] =	vst v63  }
0x15c: {  	_ =	swait.ge [sflag:s16], $0x4000  }
0x15d: {  	[sflag:s16] =	ssyncset.done $0x0  }
0x15e: {  	s17 =	rddreg [dreg:$0x15];
	[sflag:s16] =	ssyncadd.s32 $0xFFFFC000  }
0x15f: {  	[hbm4b:s17+s2] =	stream.linear.scatter [tilespmem:s10], [sflag:$0x6], $0x4000, $0x38;
	[tilespmem:$0x10C00] =	vst v63  }
0x160: {  	_ =	swait.ge [sflag:s14], $0x4000  }
0x161: {  	[sflag:s14] =	ssyncset.done $0x0  }
0x162: {  	s17 =	rddreg [dreg:$0x16];
	[sflag:s14] =	ssyncadd.s32 $0xFFFFC000  }
0x163: {  	[hbm4b:s17+s2] =	stream.linear.scatter [tilespmem:s8], [sflag:$0x7], $0x4000, $0x38;
	[tilespmem:$0x10C00] =	vst v63  }
0x164: {  	_ =	swait.ge [sflag:s13], $0x4000  }
0x165: {  	[sflag:s13] =	ssyncset.done $0x0  }
0x166: {  	s17 =	rddreg [dreg:$0x17];
	[sflag:s13] =	ssyncadd.s32 $0xFFFFC000  }
0x167: {  	[hbm4b:s17+s2] =	stream.linear.scatter [tilespmem:s4], [sflag:$0x8], $0x4000, $0x38;
	[tilespmem:$0x10C00] =	vst v63  }
0x168: {  	_ =	swait.ge [sflag:s5], $0x4000  }
0x169: {  	[sflag:s5] =	ssyncset.done $0x0  }
0x16a: {  	[sflag:s5] =	ssyncadd.s32 $0xFFFFC000  }
0x16b: {  	_ =	swait.ge [sflag:s6], $0x4000  }
0x16c: {  	[sflag:s6] =	ssyncset.done $0x0  }
0x16d: {  	p1 =	sne.s32 s1, $0x1;
	[sflag:s6] =	ssyncadd.s32 $0xFFFFC000  }
.Ltmp2:
0x16e: {  	_ =	swait.ge [sflag:s7], $0x4000;
	(pc) =	sbr.rel @p1 .LBB2_4-.Ltmp2, $4  }
0x16f: {  	[sflag:s7] =	ssyncset.done $0x0  }
0x170: {  	[sflag:s7] =	ssyncadd.s32 $0xFFFFC000  }
0x171: {  	_ =	swait.ge [sflag:s9], $0x4000  }
0x172: {  	s1 =	sadd.s32 $0xFFFFFFFF, s1;
	s0 =	rddreg [dreg:$0x4];
	[sflag:s9] =	ssyncset.done $0x0  }
0x173: {  	s18 =	simm.s32 $0x400;
	s30 =	simm.s32 $0x480;
	s29 =	simm.s32 $0x500  }
0x174: {  	s28 =	simm.s32 $0x580;
	s26 =	simm.s32 $0x600;
	s24 =	simm.s32 $0x680  }
0x175: {  	s23 =	simm.s32 $0x700;
	s22 =	simm.s32 $0x780;
	s21 =	simm.s32 $0x800  }
0x176: {  	s20 =	simm.s32 $0x880;
	s19 =	simm.s32 $0x900;
	s17 =	stileid.u32  }
.LBB2_6:
0x177: {  	[sflag:s9] =	ssyncadd.s32 @p0 $0xFFFFC000  }
0x178: {  	[tilespmem:s2], [sflag:$0x9] =	stream.linear.gather [hbm4b:s0+s2], $0xA00, $0x38;
	[tilespmem:$0x10C00] =	vst v63  }
0x179: {  	_ =	swait.ge [sflag:s31], $0xA00  }
0x17a: {  	[sflag:s31] =	ssyncset.done $0x0  }
0x17b: {  	[sflag:s31] =	ssyncadd.s32 $0xFFFFF600  }
0x17c: {  	[tilespmem:s11], [sflag:$0x1] =	stream.indirect.gather [hbm4b:s3+s12], $0x80, s2, s12, $0xb8;
	[tilespmem:$0x10C00] =	vst v63  }
0x17d: {  	_ = 	snop  }
0x17e: {  	[tilespmem:s10], [sflag:$0x2] =	stream.indirect.gather [hbm4b:s3+s12], $0x80, s12, s12, $0xb8;
	[tilespmem:$0x10C00] =	vst v63  }
0x17f: {  	s31 =	rddreg [dreg:$0x18]  }
0x180: {  	[tilespmem:s8], [sflag:$0x3] =	stream.indirect.gather [hbm4b:s3+s12], $0x80, s31, s12, $0xb8;
	[tilespmem:$0x10C00] =	vst v63  }
0x181: {  	s1 =	rddreg [dreg:$0x19]  }
0x182: {  	[tilespmem:s4], [sflag:$0x4] =	stream.indirect.gather [hbm4b:s3+s12], $0x80, s1, s12, $0xb8;
	[tilespmem:$0x10C00] =	vst v63  }
0x183: {  	_ =	swait.ge [sflag:s15], $0x4000  }
0x184: {  	[sflag:s15] =	ssyncset.done $0x0  }
0x185: {  	[sflag:s15] =	ssyncadd.s32 $0xFFFFC000  }
0x186: {  	[hbm4b:s25+s2] =	stream.linear.scatter [tilespmem:s11], [sflag:$0x5], $0x4000, $0x38;
	[tilespmem:$0x10C00] =	vst v63  }
0x187: {  	_ =	swait.ge [sflag:s5], $0x4000  }
0x188: {  	[sflag:s5] =	ssyncset.done $0x0  }
0x189: {  	s31 =	rddreg [dreg:$0x1a];
	[sflag:s5] =	ssyncadd.s32 $0xFFFFC000  }
0x18a: {  	[tilespmem:s11], [sflag:$0x1] =	stream.indirect.gather [hbm4b:s3+s12], $0x80, s31, s12, $0xb8;
	[tilespmem:$0x10C00] =	vst v63  }
0x18b: {  	_ =	swait.ge [sflag:s16], $0x4000  }
0x18c: {  	[sflag:s16] =	ssyncset.done $0x0  }
0x18d: {  	s1 =	rddreg [dreg:$0x5];
	[sflag:s16] =	ssyncadd.s32 $0xFFFFC000  }
0x18e: {  	[hbm4b:s1+s2] =	stream.linear.scatter [tilespmem:s10], [sflag:$0x6], $0x4000, $0x38;
	[tilespmem:$0x10C00] =	vst v63  }
0x18f: {  	_ =	swait.ge [sflag:s6], $0x4000  }
0x190: {  	[sflag:s6] =	ssyncset.done $0x0  }
0x191: {  	s25 =	rddreg [dreg:$0x1b];
	[sflag:s6] =	ssyncadd.s32 $0xFFFFC000  }
0x192: {  	[tilespmem:s10], [sflag:$0x2] =	stream.indirect.gather [hbm4b:s3+s12], $0x80, s25, s12, $0xb8;
	[tilespmem:$0x10C00] =	vst v63  }
0x193: {  	_ =	swait.ge [sflag:s14], $0x4000  }
0x194: {  	[sflag:s14] =	ssyncset.done $0x0  }
0x195: {  	s31 =	rddreg [dreg:$0x6];
	[sflag:s14] =	ssyncadd.s32 $0xFFFFC000  }
0x196: {  	[hbm4b:s31+s2] =	stream.linear.scatter [tilespmem:s8], [sflag:$0x7], $0x4000, $0x38;
	[tilespmem:$0x10C00] =	vst v63  }
0x197: {  	_ =	swait.ge [sflag:s7], $0x4000  }
0x198: {  	[sflag:s7] =	ssyncset.done $0x0  }
0x199: {  	s1 =	rddreg [dreg:$0x1c];
	[sflag:s7] =	ssyncadd.s32 $0xFFFFC000  }
0x19a: {  	[tilespmem:s8], [sflag:$0x3] =	stream.indirect.gather [hbm4b:s3+s12], $0x80, s1, s12, $0xb8;
	[tilespmem:$0x10C00] =	vst v63  }
0x19b: {  	_ =	swait.ge [sflag:s13], $0x4000  }
0x19c: {  	[sflag:s13] =	ssyncset.done $0x0  }
0x19d: {  	s25 =	rddreg [dreg:$0x7];
	[sflag:s13] =	ssyncadd.s32 $0xFFFFC000  }
0x19e: {  	[hbm4b:s25+s2] =	stream.linear.scatter [tilespmem:s4], [sflag:$0x8], $0x4000, $0x38;
	[tilespmem:$0x10C00] =	vst v63  }
0x19f: {  	_ =	swait.ge [sflag:s9], $0x4000  }
0x1a0: {  	[sflag:s9] =	ssyncset.done $0x0  }
0x1a1: {  	s31 =	rddreg [dreg:$0x1d];
	[sflag:s9] =	ssyncadd.s32 $0xFFFFC000  }
0x1a2: {  	[tilespmem:s4], [sflag:$0x4] =	stream.indirect.gather [hbm4b:s3+s12], $0x80, s31, s12, $0xb8;
	[tilespmem:$0x10C00] =	vst v63  }
0x1a3: {  	_ =	swait.ge [sflag:s15], $0x4000  }
0x1a4: {  	[sflag:s15] =	ssyncset.done $0x0  }
0x1a5: {  	s1 =	rddreg [dreg:$0x8];
	[sflag:s15] =	ssyncadd.s32 $0xFFFFC000  }
0x1a6: {  	[hbm4b:s1+s2] =	stream.linear.scatter [tilespmem:s11], [sflag:$0x5], $0x4000, $0x38;
	[tilespmem:$0x10C00] =	vst v63  }
0x1a7: {  	_ =	swait.ge [sflag:s5], $0x4000  }
0x1a8: {  	[sflag:s5] =	ssyncset.done $0x0  }
0x1a9: {  	[sflag:s5] =	ssyncadd.s32 $0xFFFFC000  }
0x1aa: {  	[tilespmem:s11], [sflag:$0x1] =	stream.indirect.gather [hbm4b:s3+s12], $0x80, s18, s12, $0xb8;
	[tilespmem:$0x10C00] =	vst v63  }
0x1ab: {  	_ =	swait.ge [sflag:s16], $0x4000  }
0x1ac: {  	[sflag:s16] =	ssyncset.done $0x0  }
0x1ad: {  	s18 =	rddreg [dreg:$0x9];
	[sflag:s16] =	ssyncadd.s32 $0xFFFFC000  }
0x1ae: {  	[hbm4b:s18+s2] =	stream.linear.scatter [tilespmem:s10], [sflag:$0x6], $0x4000, $0x38;
	[tilespmem:$0x10C00] =	vst v63  }
0x1af: {  	_ =	swait.ge [sflag:s6], $0x4000  }
0x1b0: {  	[sflag:s6] =	ssyncset.done $0x0  }
0x1b1: {  	[sflag:s6] =	ssyncadd.s32 $0xFFFFC000  }
0x1b2: {  	[tilespmem:s10], [sflag:$0x2] =	stream.indirect.gather [hbm4b:s3+s12], $0x80, s30, s12, $0xb8;
	[tilespmem:$0x10C00] =	vst v63  }
0x1b3: {  	_ =	swait.ge [sflag:s14], $0x4000  }
0x1b4: {  	[sflag:s14] =	ssyncset.done $0x0  }
0x1b5: {  	s25 =	rddreg [dreg:$0xa];
	[sflag:s14] =	ssyncadd.s32 $0xFFFFC000  }
0x1b6: {  	[hbm4b:s25+s2] =	stream.linear.scatter [tilespmem:s8], [sflag:$0x7], $0x4000, $0x38;
	[tilespmem:$0x10C00] =	vst v63  }
0x1b7: {  	_ =	swait.ge [sflag:s7], $0x4000  }
0x1b8: {  	[sflag:s7] =	ssyncset.done $0x0  }
0x1b9: {  	[sflag:s7] =	ssyncadd.s32 $0xFFFFC000  }
0x1ba: {  	[tilespmem:s8], [sflag:$0x3] =	stream.indirect.gather [hbm4b:s3+s12], $0x80, s29, s12, $0xb8;
	[tilespmem:$0x10C00] =	vst v63  }
0x1bb: {  	_ =	swait.ge [sflag:s13], $0x4000  }
0x1bc: {  	[sflag:s13] =	ssyncset.done $0x0  }
0x1bd: {  	s29 =	rddreg [dreg:$0xb];
	[sflag:s13] =	ssyncadd.s32 $0xFFFFC000  }
0x1be: {  	[hbm4b:s29+s2] =	stream.linear.scatter [tilespmem:s4], [sflag:$0x8], $0x4000, $0x38;
	[tilespmem:$0x10C00] =	vst v63  }
0x1bf: {  	_ =	swait.ge [sflag:s9], $0x4000  }
0x1c0: {  	[sflag:s9] =	ssyncset.done $0x0  }
0x1c1: {  	[sflag:s9] =	ssyncadd.s32 $0xFFFFC000  }
0x1c2: {  	[tilespmem:s4], [sflag:$0x4] =	stream.indirect.gather [hbm4b:s3+s12], $0x80, s28, s12, $0xb8;
	[tilespmem:$0x10C00] =	vst v63  }
0x1c3: {  	_ =	swait.ge [sflag:s15], $0x4000  }
0x1c4: {  	[sflag:s15] =	ssyncset.done $0x0  }
0x1c5: {  	s30 =	rddreg [dreg:$0xc];
	[sflag:s15] =	ssyncadd.s32 $0xFFFFC000  }
0x1c6: {  	[hbm4b:s30+s2] =	stream.linear.scatter [tilespmem:s11], [sflag:$0x5], $0x4000, $0x38;
	[tilespmem:$0x10C00] =	vst v63  }
0x1c7: {  	_ =	swait.ge [sflag:s5], $0x4000  }
0x1c8: {  	[sflag:s5] =	ssyncset.done $0x0  }
0x1c9: {  	[sflag:s5] =	ssyncadd.s32 $0xFFFFC000  }
0x1ca: {  	[tilespmem:s11], [sflag:$0x1] =	stream.indirect.gather [hbm4b:s3+s12], $0x80, s26, s12, $0xb8;
	[tilespmem:$0x10C00] =	vst v63  }
0x1cb: {  	_ =	swait.ge [sflag:s16], $0x4000  }
0x1cc: {  	[sflag:s16] =	ssyncset.done $0x0  }
0x1cd: {  	s31 =	rddreg [dreg:$0xd];
	[sflag:s16] =	ssyncadd.s32 $0xFFFFC000  }
0x1ce: {  	[hbm4b:s31+s2] =	stream.linear.scatter [tilespmem:s10], [sflag:$0x6], $0x4000, $0x38;
	[tilespmem:$0x10C00] =	vst v63  }
0x1cf: {  	_ =	swait.ge [sflag:s6], $0x4000  }
0x1d0: {  	[sflag:s6] =	ssyncset.done $0x0  }
0x1d1: {  	[sflag:s6] =	ssyncadd.s32 $0xFFFFC000  }
0x1d2: {  	[tilespmem:s10], [sflag:$0x2] =	stream.indirect.gather [hbm4b:s3+s12], $0x80, s24, s12, $0xb8;
	[tilespmem:$0x10C00] =	vst v63  }
0x1d3: {  	_ =	swait.ge [sflag:s14], $0x4000  }
0x1d4: {  	[sflag:s14] =	ssyncset.done $0x0  }
0x1d5: {  	s1 =	rddreg [dreg:$0xe];
	[sflag:s14] =	ssyncadd.s32 $0xFFFFC000  }
0x1d6: {  	[hbm4b:s1+s2] =	stream.linear.scatter [tilespmem:s8], [sflag:$0x7], $0x4000, $0x38;
	[tilespmem:$0x10C00] =	vst v63  }
0x1d7: {  	_ =	swait.ge [sflag:s7], $0x4000  }
0x1d8: {  	[sflag:s7] =	ssyncset.done $0x0  }
0x1d9: {  	[sflag:s7] =	ssyncadd.s32 $0xFFFFC000  }
0x1da: {  	[tilespmem:s8], [sflag:$0x3] =	stream.indirect.gather [hbm4b:s3+s12], $0x80, s23, s12, $0xb8;
	[tilespmem:$0x10C00] =	vst v63  }
0x1db: {  	_ =	swait.ge [sflag:s13], $0x4000  }
0x1dc: {  	[sflag:s13] =	ssyncset.done $0x0  }
0x1dd: {  	s18 =	rddreg [dreg:$0xf];
	[sflag:s13] =	ssyncadd.s32 $0xFFFFC000  }
0x1de: {  	[hbm4b:s18+s2] =	stream.linear.scatter [tilespmem:s4], [sflag:$0x8], $0x4000, $0x38;
	[tilespmem:$0x10C00] =	vst v63  }
0x1df: {  	_ =	swait.ge [sflag:s9], $0x4000  }
0x1e0: {  	[sflag:s9] =	ssyncset.done $0x0  }
0x1e1: {  	[sflag:s9] =	ssyncadd.s32 $0xFFFFC000  }
0x1e2: {  	[tilespmem:s4], [sflag:$0x4] =	stream.indirect.gather [hbm4b:s3+s12], $0x80, s22, s12, $0xb8;
	[tilespmem:$0x10C00] =	vst v63  }
0x1e3: {  	_ =	swait.ge [sflag:s15], $0x4000  }
0x1e4: {  	[sflag:s15] =	ssyncset.done $0x0  }
0x1e5: {  	s22 =	rddreg [dreg:$0x10];
	[sflag:s15] =	ssyncadd.s32 $0xFFFFC000  }
0x1e6: {  	[hbm4b:s22+s2] =	stream.linear.scatter [tilespmem:s11], [sflag:$0x5], $0x4000, $0x38;
	[tilespmem:$0x10C00] =	vst v63  }
0x1e7: {  	_ =	swait.ge [sflag:s5], $0x4000  }
0x1e8: {  	[sflag:s5] =	ssyncset.done $0x0  }
0x1e9: {  	[sflag:s5] =	ssyncadd.s32 $0xFFFFC000  }
0x1ea: {  	[tilespmem:s11], [sflag:$0x1] =	stream.indirect.gather [hbm4b:s3+s12], $0x80, s21, s12, $0xb8;
	[tilespmem:$0x10C00] =	vst v63  }
0x1eb: {  	_ =	swait.ge [sflag:s16], $0x4000  }
0x1ec: {  	[sflag:s16] =	ssyncset.done $0x0  }
0x1ed: {  	s23 =	rddreg [dreg:$0x11];
	[sflag:s16] =	ssyncadd.s32 $0xFFFFC000  }
0x1ee: {  	[hbm4b:s23+s2] =	stream.linear.scatter [tilespmem:s10], [sflag:$0x6], $0x4000, $0x38;
	[tilespmem:$0x10C00] =	vst v63  }
0x1ef: {  	_ =	swait.ge [sflag:s6], $0x4000  }
0x1f0: {  	[sflag:s6] =	ssyncset.done $0x0  }
0x1f1: {  	[sflag:s6] =	ssyncadd.s32 $0xFFFFC000  }
0x1f2: {  	[tilespmem:s10], [sflag:$0x2] =	stream.indirect.gather [hbm4b:s3+s12], $0x80, s20, s12, $0xb8;
	[tilespmem:$0x10C00] =	vst v63  }
0x1f3: {  	_ =	swait.ge [sflag:s14], $0x4000  }
0x1f4: {  	[sflag:s14] =	ssyncset.done $0x0  }
0x1f5: {  	s24 =	rddreg [dreg:$0x12];
	[sflag:s14] =	ssyncadd.s32 $0xFFFFC000  }
0x1f6: {  	[hbm4b:s24+s2] =	stream.linear.scatter [tilespmem:s8], [sflag:$0x7], $0x4000, $0x38;
	[tilespmem:$0x10C00] =	vst v63  }
0x1f7: {  	_ =	swait.ge [sflag:s7], $0x4000  }
0x1f8: {  	[sflag:s7] =	ssyncset.done $0x0  }
0x1f9: {  	[sflag:s7] =	ssyncadd.s32 $0xFFFFC000  }
0x1fa: {  	[tilespmem:s8], [sflag:$0x3] =	stream.indirect.gather [hbm4b:s3+s12], $0x80, s19, s12, $0xb8;
	[tilespmem:$0x10C00] =	vst v63  }
0x1fb: {  	_ =	swait.ge [sflag:s13], $0x4000  }
0x1fc: {  	[sflag:s13] =	ssyncset.done $0x0  }
0x1fd: {  	s25 =	rddreg [dreg:$0x13];
	[sflag:s13] =	ssyncadd.s32 $0xFFFFC000  }
0x1fe: {  	[hbm4b:s25+s2] =	stream.linear.scatter [tilespmem:s4], [sflag:$0x8], $0x4000, $0x38;
	[tilespmem:$0x10C00] =	vst v63  }
0x1ff: {  	_ =	swait.ge [sflag:s9], $0x4000  }
0x200: {  	[sflag:s9] =	ssyncset.done $0x0  }
0x201: {  	s26 =	simm.s32 $0x980;
	[sflag:s9] =	ssyncadd.s32 $0xFFFFC000  }
0x202: {  	[tilespmem:s4], [sflag:$0x4] =	stream.indirect.gather [hbm4b:s3+s12], $0x80, s26, s12, $0xb8;
	[tilespmem:$0x10C00] =	vst v63  }
0x203: {  	_ =	swait.ge [sflag:s15], $0x4000  }
0x204: {  	[sflag:s15] =	ssyncset.done $0x0  }
0x205: {  	s28 =	rddreg [dreg:$0x14];
	[sflag:s15] =	ssyncadd.s32 $0xFFFFC000  }
0x206: {  	[hbm4b:s28+s2] =	stream.linear.scatter [tilespmem:s11], [sflag:$0x5], $0x4000, $0x38;
	[tilespmem:$0x10C00] =	vst v63  }
0x207: {  	_ =	swait.ge [sflag:s16], $0x4000  }
0x208: {  	[sflag:s16] =	ssyncset.done $0x0  }
0x209: {  	s29 =	rddreg [dreg:$0x15];
	[sflag:s16] =	ssyncadd.s32 $0xFFFFC000  }
0x20a: {  	[hbm4b:s29+s2] =	stream.linear.scatter [tilespmem:s10], [sflag:$0x6], $0x4000, $0x38;
	[tilespmem:$0x10C00] =	vst v63  }
0x20b: {  	_ =	swait.ge [sflag:s14], $0x4000  }
0x20c: {  	[sflag:s14] =	ssyncset.done $0x0  }
0x20d: {  	s30 =	rddreg [dreg:$0x16];
	[sflag:s14] =	ssyncadd.s32 $0xFFFFC000  }
0x20e: {  	[hbm4b:s30+s2] =	stream.linear.scatter [tilespmem:s8], [sflag:$0x7], $0x4000, $0x38;
	[tilespmem:$0x10C00] =	vst v63  }
0x20f: {  	_ =	swait.ge [sflag:s13], $0x4000  }
0x210: {  	[sflag:s13] =	ssyncset.done $0x0  }
0x211: {  	s31 =	rddreg [dreg:$0x17];
	[sflag:s13] =	ssyncadd.s32 $0xFFFFC000  }
0x212: {  	[hbm4b:s31+s2] =	stream.linear.scatter [tilespmem:s4], [sflag:$0x8], $0x4000, $0x38;
	[tilespmem:$0x10C00] =	vst v63  }
0x213: {  	_ =	swait.ge [sflag:s5], $0x4000  }
0x214: {  	[sflag:s5] =	ssyncset.done $0x0  }
0x215: {  	[sflag:s5] =	ssyncadd.s32 $0xFFFFC000  }
0x216: {  	_ =	swait.ge [sflag:s6], $0x4000  }
0x217: {  	[sflag:s6] =	ssyncset.done $0x0  }
0x218: {  	[sflag:s6] =	ssyncadd.s32 $0xFFFFC000  }
0x219: {  	_ =	swait.ge [sflag:s7], $0x4000  }
0x21a: {  	[sflag:s7] =	ssyncset.done $0x0  }
0x21b: {  	[sflag:s7] =	ssyncadd.s32 $0xFFFFC000  }
0x21c: {  	_ =	swait.ge [sflag:s9], $0x4000  }
0x21d: {  	[sflag:s9] =	ssyncset.done $0x0  }
0x21e: {  	[sflag:s9] =	ssyncadd.s32 $0xFFFFC000  }
0x21f: {  	_ =	sfence.sel $0x180000  }
0x220: {  	[bflag:$0x0] =	sbarrier.arrive $0xFFFF  }
0x221: {  	_ =	strace $0x90000047  }
0x222: {  	[bflag:$0x2] =	sbarrier.arrive $0xFFFF  }
0x223: {  	p0 =	sne.s32 s17, $0x0;
	s0 =	rddreg [dreg:$0x3]  }
0x224: {  	s0 =	sadd.s32 @!p0 $0x100000, s0  }
0x225: {  	[sflag:s0] =	ssyncadd.tile.s32 @!p0 $0x1;
	_ =	shalt  }
.LBB2_1:
.Ltmp3:
0x226: {  	(pc) =	sbr.rel .LBB2_6-.Ltmp3, $4  }
0x227: {  	s18 =	simm.s32 $0x400;
	s30 =	simm.s32 $0x480  }
0x228: {  	s29 =	simm.s32 $0x500;
	s28 =	simm.s32 $0x580;
	s26 =	simm.s32 $0x600  }
0x229: {  	s24 =	simm.s32 $0x680;
	s23 =	simm.s32 $0x700;
	s22 =	simm.s32 $0x780  }
0x22a: {  	s21 =	simm.s32 $0x800;
	s20 =	simm.s32 $0x880;
	s19 =	simm.s32 $0x900  }
.LBB2_3:
.Ltmp4:
0x22b: {  	(pc) =	sbr.rel .LBB2_6-.Ltmp4, $4  }
0x22c: {  	s18 =	simm.s32 $0x400;
	s30 =	simm.s32 $0x480;
	s29 =	simm.s32 $0x500  }
0x22d: {  	s28 =	simm.s32 $0x580;
	s26 =	simm.s32 $0x600;
	s24 =	simm.s32 $0x680  }
0x22e: {  	s23 =	simm.s32 $0x700;
	s22 =	simm.s32 $0x780;
	s21 =	simm.s32 $0x800  }
0x22f: {  	s20 =	simm.s32 $0x880;
	s19 =	simm.s32 $0x900;
	s17 =	stileid.u32  }
.Lfunc_end2:
_tile_overlayer_lowered:
.L_overlay_start_2:
0x230: {  	(tag) =	ssettag $0x2  }
0x231: {  	s0 =	rddreg [dreg:$0x0];
	s2 =	stileid.u32  }
0x232: {  	s1 =	rddreg [dreg:$0x1];
	p0 =	sne.s32 s2, $0x0  }
0x233: {  	s3 =	rddreg [dreg:$0x2];
	[bflag:$0x3] =	sbarrier.arrive $0xFFFF;
	s2 =	simm.s32 @!p0 $0x1C09  }
0x234: {  	[timem:s3], [sflag:s2] =	dma.local @!p0 [hbm:s0], s1  }
0x235: {  	s0 =	simm.s32 @!p0 $0x9  }
0x236: {  	_ =	swait.ge @!p0 [sflag:s0], s1  }
0x237: {  	s1 =	ssub.s32 @!p0 $0x0, s1;
	[sflag:s0] =	ssyncset.done @!p0 $0x0  }
0x238: {  	[sflag:s0] =	ssyncadd.s32 @!p0 s1  }
0x239: {  	[bflag:$0x3] =	sbarrier.arrive $0xFFFF  }
0x23a: {  	_ =	shalt  }

</sc_bundles>
